<compile_context>
chip_gen: v7x
topology: tpu7x:2x2x1
jax: 0.10.2.dev20260603
libtpu: 0.0.44.dev20260713+nightly
codegen_flags: <defaults>
</compile_context>

<pallas_src>
import functools

import jax
import jax.numpy as jnp
from jax import lax
from jax.experimental import pallas as pl
from jax.experimental.pallas import tpu as pltpu
from jax.experimental.pallas import tpu_sc as plsc

_B, _F = 16384, 26
_OFF = 100000
_NC, _NS, _L = 2, 16, 16
_NW = _NC * _NS
_BPW = _B // _NW
_IPW = _BPW * _F
_NCHUNK = _IPW // _L
_SLEN = 128
_NSTREAM = _IPW // _SLEN
_DEPTH = 6

_mesh = plsc.VectorSubcoreMesh(core_axis_name="c", subcore_axis_name="s")


@functools.partial(
    pl.kernel,
    out_type=jax.ShapeDtypeStruct((_B,), jnp.float32),
    mesh=_mesh,
    compiler_params=pltpu.CompilerParams(needs_layout_passes=False),
    scratch_types=[
        pltpu.VMEM((_IPW,), jnp.int32),
        pltpu.VMEM((_IPW,), jnp.float32),
        pltpu.VMEM((_BPW,), jnp.float32),
        pltpu.VMEM((_L,), jnp.float32),
        pltpu.SemaphoreType.DMA,
    ],
)
def _lr_kernel(x_hbm, table_hbm, bias_hbm, out_hbm, idx_v, vals_v, out_v,
               bias_v, sem):
    wid = lax.axis_index("s") * _NC + lax.axis_index("c")
    base = wid * _IPW

    pltpu.sync_copy(x_hbm.at[pl.ds(base, _IPW)], idx_v)
    pltpu.sync_copy(bias_hbm, bias_v)

    iota = lax.iota(jnp.int32, _L)

    def prep(r):
        for k in range(_SLEN // _L):
            sl = pl.ds((r * _SLEN // _L + k) * _L, _L)
            f = lax.rem((r * _SLEN // _L + k) * _L + iota, _F)
            idx_v[sl] = idx_v[sl] + f * _OFF

    def fire(r):
        sl = pl.ds(r * _SLEN, _SLEN)
        pltpu.async_copy(table_hbm.at[idx_v.at[sl]], vals_v.at[sl], sem)

    def drain(r):
        sl = pl.ds(r * _SLEN, _SLEN)
        pltpu.make_async_copy(table_hbm.at[idx_v.at[sl]], vals_v.at[sl],
                              sem).wait()

    for r in range(_DEPTH):
        prep(r)
        fire(r)

    def g_body(r, _):
        prep(r + _DEPTH)
        fire(r + _DEPTH)
        drain(r)
        return _

    lax.fori_loop(0, _NSTREAM - _DEPTH, g_body, None)

    biasv = bias_v[...]
    iota26 = iota * _F

    def red_body(c, _):
        acc = biasv
        b0 = c * (_L * _F)
        for f in range(_F):
            acc = acc + plsc.load_gather(vals_v, [iota26 + (b0 + f)])
        out_v[pl.ds(c * _L, _L)] = 1.0 / (1.0 + jnp.exp(-acc))
        return _

    _safe = ((_NSTREAM - _DEPTH) * _SLEN) // (_L * _F)
    lax.fori_loop(0, _safe, red_body, None)
    for r in range(_NSTREAM - _DEPTH, _NSTREAM):
        drain(r)
    lax.fori_loop(_safe, _BPW // _L, red_body, None)
    pltpu.sync_copy(out_v, out_hbm.at[pl.ds(wid * _BPW, _BPW)])


def kernel(x, table, bias):
    out = _lr_kernel(x.reshape(-1), table.reshape(-1),
                     jnp.broadcast_to(bias, (_L,)))
    return out.reshape(_B, 1)

# --- scband reference (transcript-rebuilt; emitter-appended) ---
"""Pipeline reference for scband-logistic-regression-62843961475142 (READ-ONLY COPY).

The authoritative reference and input builder live on the scoring server;
editing this copy changes nothing except your own understanding.
"""

import jax, jax.numpy as jnp
import numpy as np

FIELD_DIMS = [100000] * 26


def setup_inputs(seed: int = 0) -> dict:
    key = jax.random.key(seed)
    k1, k2 = jax.random.split(key)
    B, F = 16384, 26
    x = jax.random.randint(k1, (B, F), 0, 100000, dtype=jnp.int32)
    total_rows = int(sum(FIELD_DIMS))
    # xavier-uniform-ish init for an [total_rows, 1] embedding table
    limit = float(np.sqrt(6.0 / (total_rows + 1)))
    table = jax.random.uniform(k2, (total_rows, 1), dtype=jnp.float32, minval=-limit, maxval=limit)
    bias = jnp.zeros((1,), dtype=jnp.float32)
    return {"x": x, "table": table, "bias": bias}


def reference(x, table, bias):
    # FeaturesEmbedding: add per-field offsets so each field indexes its own slice of the table
    offsets = jnp.asarray(np.concatenate([[0], np.cumsum(FIELD_DIMS)[:-1]]), dtype=x.dtype)
    idx = x + offsets[None, :]                 # [B, F]
    emb = jnp.take(table, idx, axis=0)          # [B, F, 1] gather (SparseCore embedding lookup)
    out = emb.sum(axis=1) + bias                # [B, 1] first-order LR term
    return jax.nn.sigmoid(out)

if __name__ == "__main__":
    import jax
    _d = setup_inputs()
    print(jax.jit(kernel)(*tuple(_d.values())))

</pallas_src>

<mosaic_0001>
#map = affine_map<(d0, d1) -> (0)>
module attributes {stable_mosaic.version = 14 : i64} {
  func.func @_lr_kernel(%arg0: i32, %arg1: i32, %arg2: memref<425984xi32, #tpu.memory_space<hbm>>, %arg3: memref<2600000xf32, #tpu.memory_space<hbm>>, %arg4: memref<16xf32, #tpu.memory_space<hbm>>, %arg5: memref<16384xf32, #tpu.memory_space<hbm>>, %arg6: memref<13312xi32, #tpu.memory_space<vmem>>, %arg7: memref<13312xf32, #tpu.memory_space<vmem>>, %arg8: memref<512xf32, #tpu.memory_space<vmem>>, %arg9: memref<16xf32, #tpu.memory_space<vmem>>, %arg10: memref<!tpu.dma_semaphore, #tpu.memory_space<semaphore_mem>>) attributes {dimension_semantics = [#tpu.dimension_semantics<core_parallel>, #tpu.dimension_semantics<subcore_parallel>], iteration_bounds = array<i64: 2, 16>, scalar_prefetch = 0 : i64, scratch_operands = 5 : i64, tpu.core_type = #tpu.core_type<sc_vector_subcore>, window_params = [{transform_indices = #map}, {transform_indices = #map}, {transform_indices = #map}, {transform_indices = #map}]} {
    %mul3A = arith.constant 2 : i32
    %mul3A_0 = arith.muli %arg1, %mul3A : i32
    %add3A = arith.addi %mul3A_0, %arg0 : i32
    %mul3A_1 = arith.constant 13312 : i32
    %mul3A_2 = arith.muli %add3A, %mul3A_1 : i32
    "tpu.region"() ({
      %run_scoped3A = tpu.sem_alloc : memref<!tpu.dma_semaphore, #tpu.memory_space<semaphore_mem>>
      %dma_start3A_763 = tpu.memref_slice %arg2[%mul3A_2] : memref<425984xi32, #tpu.memory_space<hbm>> -> memref<13312xi32, #tpu.memory_space<hbm>>
      %dma_start3A_764 = tpu.memref_slice %arg2[%mul3A_2] : memref<425984xi32, #tpu.memory_space<hbm>> -> memref<13312xi32, #tpu.memory_space<hbm>>
      tpu.enqueue_dma source(%dma_start3A_764 : memref<13312xi32, #tpu.memory_space<hbm>>) target(%arg6 : memref<13312xi32, #tpu.memory_space<vmem>>) target_semaphore(%run_scoped3A : memref<!tpu.dma_semaphore, #tpu.memory_space<semaphore_mem>>)
      %dma_wait3A_765 = tpu.memref_slice %arg2[%mul3A_2] : memref<425984xi32, #tpu.memory_space<hbm>> -> memref<13312xi32, #tpu.memory_space<hbm>>
      %dma_wait3A_766 = tpu.memref_slice %arg2[%mul3A_2] : memref<425984xi32, #tpu.memory_space<hbm>> -> memref<13312xi32, #tpu.memory_space<hbm>>
      tpu.wait_dma2 semaphore(%run_scoped3A : memref<!tpu.dma_semaphore, #tpu.memory_space<semaphore_mem>>) src(%dma_wait3A_766 : memref<13312xi32, #tpu.memory_space<hbm>>) dst(%arg6 : memref<13312xi32, #tpu.memory_space<vmem>>)
      tpu.yield
    }) : () -> ()
    "tpu.region"() ({
      %run_scoped3A = tpu.sem_alloc : memref<!tpu.dma_semaphore, #tpu.memory_space<semaphore_mem>>
      tpu.enqueue_dma source(%arg4 : memref<16xf32, #tpu.memory_space<hbm>>) target(%arg9 : memref<16xf32, #tpu.memory_space<vmem>>) target_semaphore(%run_scoped3A : memref<!tpu.dma_semaphore, #tpu.memory_space<semaphore_mem>>)
      tpu.wait_dma2 semaphore(%run_scoped3A : memref<!tpu.dma_semaphore, #tpu.memory_space<semaphore_mem>>) src(%arg4 : memref<16xf32, #tpu.memory_space<hbm>>) dst(%arg9 : memref<16xf32, #tpu.memory_space<vmem>>)
      tpu.yield
    }) : () -> ()
    %iota3A = tpu.iota {dimensions = array<i32: 0>} : vector<16xi32>
    %add3A_3 = arith.constant 0 : i32
    %add3A_4 = vector.broadcast %add3A_3 : i32 to vector<16xi32>
    %add3A_5 = arith.addi %add3A_4, %iota3A : vector<16xi32>
    %rem3A = arith.constant 26 : i32
    %rem3A_6 = vector.broadcast %rem3A : i32 to vector<16xi32>
    %rem3A_7 = arith.remsi %add3A_5, %rem3A_6 : vector<16xi32>
    %get3A = arith.constant 0 : index
    %get3A_8 = tpu.vector_load %arg6[%get3A] {strides = array<i32>} : memref<13312xi32, #tpu.memory_space<vmem>>, vector<16xi32>,
    %mul3A_9 = arith.constant 100000 : i32
    %mul3A_10 = vector.broadcast %mul3A_9 : i32 to vector<16xi32>
    %mul3A_11 = arith.muli %rem3A_7, %mul3A_10 : vector<16xi32>
    %add3A_12 = arith.addi %get3A_8, %mul3A_11 : vector<16xi32>
    %swap3A = arith.constant 0 : index
    %swap3A_13 = tpu.vector_load %arg6[%swap3A] {strides = array<i32>} : memref<13312xi32, #tpu.memory_space<vmem>>, vector<16xi32>,
    tpu.vector_store %arg6[%swap3A], %add3A_12 {strides = array<i32>} : memref<13312xi32, #tpu.memory_space<vmem>>, vector<16xi32>,
    %add3A_14 = arith.constant 16 : i32
    %add3A_15 = vector.broadcast %add3A_14 : i32 to vector<16xi32>
    %add3A_16 = arith.addi %add3A_15, %iota3A : vector<16xi32>
    %rem3A_17 = arith.constant 26 : i32
    %rem3A_18 = vector.broadcast %rem3A_17 : i32 to vector<16xi32>
    %rem3A_19 = arith.remsi %add3A_16, %rem3A_18 : vector<16xi32>
    %get3A_20 = arith.constant 16 : index
    %get3A_21 = tpu.vector_load %arg6[%get3A_20] {strides = array<i32>} : memref<13312xi32, #tpu.memory_space<vmem>>, vector<16xi32>,
    %mul3A_22 = arith.constant 100000 : i32
    %mul3A_23 = vector.broadcast %mul3A_22 : i32 to vector<16xi32>
    %mul3A_24 = arith.muli %rem3A_19, %mul3A_23 : vector<16xi32>
    %add3A_25 = arith.addi %get3A_21, %mul3A_24 : vector<16xi32>
    %swap3A_26 = arith.constant 16 : index
    %swap3A_27 = tpu.vector_load %arg6[%swap3A_26] {strides = array<i32>} : memref<13312xi32, #tpu.memory_space<vmem>>, vector<16xi32>,
    tpu.vector_store %arg6[%swap3A_26], %add3A_25 {strides = array<i32>} : memref<13312xi32, #tpu.memory_space<vmem>>, vector<16xi32>,
    %add3A_28 = arith.constant 32 : i32
    %add3A_29 = vector.broadcast %add3A_28 : i32 to vector<16xi32>
    %add3A_30 = arith.addi %add3A_29, %iota3A : vector<16xi32>
    %rem3A_31 = arith.constant 26 : i32
    %rem3A_32 = vector.broadcast %rem3A_31 : i32 to vector<16xi32>
    %rem3A_33 = arith.remsi %add3A_30, %rem3A_32 : vector<16xi32>
    %get3A_34 = arith.constant 32 : index
    %get3A_35 = tpu.vector_load %arg6[%get3A_34] {strides = array<i32>} : memref<13312xi32, #tpu.memory_space<vmem>>, vector<16xi32>,
    %mul3A_36 = arith.constant 100000 : i32
    %mul3A_37 = vector.broadcast %mul3A_36 : i32 to vector<16xi32>
    %mul3A_38 = arith.muli %rem3A_33, %mul3A_37 : vector<16xi32>
    %add3A_39 = arith.addi %get3A_35, %mul3A_38 : vector<16xi32>
    %swap3A_40 = arith.constant 32 : index
    %swap3A_41 = tpu.vector_load %arg6[%swap3A_40] {strides = array<i32>} : memref<13312xi32, #tpu.memory_space<vmem>>, vector<16xi32>,
    tpu.vector_store %arg6[%swap3A_40], %add3A_39 {strides = array<i32>} : memref<13312xi32, #tpu.memory_space<vmem>>, vector<16xi32>,
    %add3A_42 = arith.constant 48 : i32
    %add3A_43 = vector.broadcast %add3A_42 : i32 to vector<16xi32>
    %add3A_44 = arith.addi %add3A_43, %iota3A : vector<16xi32>
    %rem3A_45 = arith.constant 26 : i32
    %rem3A_46 = vector.broadcast %rem3A_45 : i32 to vector<16xi32>
    %rem3A_47 = arith.remsi %add3A_44, %rem3A_46 : vector<16xi32>
    %get3A_48 = arith.constant 48 : index
    %get3A_49 = tpu.vector_load %arg6[%get3A_48] {strides = array<i32>} : memref<13312xi32, #tpu.memory_space<vmem>>, vector<16xi32>,
    %mul3A_50 = arith.constant 100000 : i32
    %mul3A_51 = vector.broadcast %mul3A_50 : i32 to vector<16xi32>
    %mul3A_52 = arith.muli %rem3A_47, %mul3A_51 : vector<16xi32>
    %add3A_53 = arith.addi %get3A_49, %mul3A_52 : vector<16xi32>
    %swap3A_54 = arith.constant 48 : index
    %swap3A_55 = tpu.vector_load %arg6[%swap3A_54] {strides = array<i32>} : memref<13312xi32, #tpu.memory_space<vmem>>, vector<16xi32>,
    tpu.vector_store %arg6[%swap3A_54], %add3A_53 {strides = array<i32>} : memref<13312xi32, #tpu.memory_space<vmem>>, vector<16xi32>,
    %add3A_56 = arith.constant 64 : i32
    %add3A_57 = vector.broadcast %add3A_56 : i32 to vector<16xi32>
    %add3A_58 = arith.addi %add3A_57, %iota3A : vector<16xi32>
    %rem3A_59 = arith.constant 26 : i32
    %rem3A_60 = vector.broadcast %rem3A_59 : i32 to vector<16xi32>
    %rem3A_61 = arith.remsi %add3A_58, %rem3A_60 : vector<16xi32>
    %get3A_62 = arith.constant 64 : index
    %get3A_63 = tpu.vector_load %arg6[%get3A_62] {strides = array<i32>} : memref<13312xi32, #tpu.memory_space<vmem>>, vector<16xi32>,
    %mul3A_64 = arith.constant 100000 : i32
    %mul3A_65 = vector.broadcast %mul3A_64 : i32 to vector<16xi32>
    %mul3A_66 = arith.muli %rem3A_61, %mul3A_65 : vector<16xi32>
    %add3A_67 = arith.addi %get3A_63, %mul3A_66 : vector<16xi32>
    %swap3A_68 = arith.constant 64 : index
    %swap3A_69 = tpu.vector_load %arg6[%swap3A_68] {strides = array<i32>} : memref<13312xi32, #tpu.memory_space<vmem>>, vector<16xi32>,
    tpu.vector_store %arg6[%swap3A_68], %add3A_67 {strides = array<i32>} : memref<13312xi32, #tpu.memory_space<vmem>>, vector<16xi32>,
    %add3A_70 = arith.constant 80 : i32
    %add3A_71 = vector.broadcast %add3A_70 : i32 to vector<16xi32>
    %add3A_72 = arith.addi %add3A_71, %iota3A : vector<16xi32>
    %rem3A_73 = arith.constant 26 : i32
    %rem3A_74 = vector.broadcast %rem3A_73 : i32 to vector<16xi32>
    %rem3A_75 = arith.remsi %add3A_72, %rem3A_74 : vector<16xi32>
    %get3A_76 = arith.constant 80 : index
    %get3A_77 = tpu.vector_load %arg6[%get3A_76] {strides = array<i32>} : memref<13312xi32, #tpu.memory_space<vmem>>, vector<16xi32>,
    %mul3A_78 = arith.constant 100000 : i32
    %mul3A_79 = vector.broadcast %mul3A_78 : i32 to vector<16xi32>
    %mul3A_80 = arith.muli %rem3A_75, %mul3A_79 : vector<16xi32>
    %add3A_81 = arith.addi %get3A_77, %mul3A_80 : vector<16xi32>
    %swap3A_82 = arith.constant 80 : index
    %swap3A_83 = tpu.vector_load %arg6[%swap3A_82] {strides = array<i32>} : memref<13312xi32, #tpu.memory_space<vmem>>, vector<16xi32>,
    tpu.vector_store %arg6[%swap3A_82], %add3A_81 {strides = array<i32>} : memref<13312xi32, #tpu.memory_space<vmem>>, vector<16xi32>,
    %add3A_84 = arith.constant 96 : i32
    %add3A_85 = vector.broadcast %add3A_84 : i32 to vector<16xi32>
    %add3A_86 = arith.addi %add3A_85, %iota3A : vector<16xi32>
    %rem3A_87 = arith.constant 26 : i32
    %rem3A_88 = vector.broadcast %rem3A_87 : i32 to vector<16xi32>
    %rem3A_89 = arith.remsi %add3A_86, %rem3A_88 : vector<16xi32>
    %get3A_90 = arith.constant 96 : index
    %get3A_91 = tpu.vector_load %arg6[%get3A_90] {strides = array<i32>} : memref<13312xi32, #tpu.memory_space<vmem>>, vector<16xi32>,
    %mul3A_92 = arith.constant 100000 : i32
    %mul3A_93 = vector.broadcast %mul3A_92 : i32 to vector<16xi32>
    %mul3A_94 = arith.muli %rem3A_89, %mul3A_93 : vector<16xi32>
    %add3A_95 = arith.addi %get3A_91, %mul3A_94 : vector<16xi32>
    %swap3A_96 = arith.constant 96 : index
    %swap3A_97 = tpu.vector_load %arg6[%swap3A_96] {strides = array<i32>} : memref<13312xi32, #tpu.memory_space<vmem>>, vector<16xi32>,
    tpu.vector_store %arg6[%swap3A_96], %add3A_95 {strides = array<i32>} : memref<13312xi32, #tpu.memory_space<vmem>>, vector<16xi32>,
    %add3A_98 = arith.constant 112 : i32
    %add3A_99 = vector.broadcast %add3A_98 : i32 to vector<16xi32>
    %add3A_100 = arith.addi %add3A_99, %iota3A : vector<16xi32>
    %rem3A_101 = arith.constant 26 : i32
    %rem3A_102 = vector.broadcast %rem3A_101 : i32 to vector<16xi32>
    %rem3A_103 = arith.remsi %add3A_100, %rem3A_102 : vector<16xi32>
    %get3A_104 = arith.constant 112 : index
    %get3A_105 = tpu.vector_load %arg6[%get3A_104] {strides = array<i32>} : memref<13312xi32, #tpu.memory_space<vmem>>, vector<16xi32>,
    %mul3A_106 = arith.constant 100000 : i32
    %mul3A_107 = vector.broadcast %mul3A_106 : i32 to vector<16xi32>
    %mul3A_108 = arith.muli %rem3A_103, %mul3A_107 : vector<16xi32>
    %add3A_109 = arith.addi %get3A_105, %mul3A_108 : vector<16xi32>
    %swap3A_110 = arith.constant 112 : index
    %swap3A_111 = tpu.vector_load %arg6[%swap3A_110] {strides = array<i32>} : memref<13312xi32, #tpu.memory_space<vmem>>, vector<16xi32>,
    tpu.vector_store %arg6[%swap3A_110], %add3A_109 {strides = array<i32>} : memref<13312xi32, #tpu.memory_space<vmem>>, vector<16xi32>,
    %dma_start3A = arith.constant 0 : i32
    %dma_start3A_112 = tpu.memref_slice %arg7[%dma_start3A] : memref<13312xf32, #tpu.memory_space<vmem>> -> memref<128xf32, #tpu.memory_space<vmem>>
    %dma_start3A_113 = arith.constant 0 : i32
    %dma_start3A_114 = tpu.memref_slice %arg6[%dma_start3A_113] : memref<13312xi32, #tpu.memory_space<vmem>> -> memref<128xi32, #tpu.memory_space<vmem>>
    %dma_start3A_115 = arith.constant 0 : i32
    %dma_start3A_116 = tpu.memref_slice %arg3[%dma_start3A_115] : memref<2600000xf32, #tpu.memory_space<hbm>> -> memref<2600000xf32, #tpu.memory_space<hbm>>
    tpu.enqueue_indirect_dma source(%dma_start3A_116 : memref<2600000xf32, #tpu.memory_space<hbm>>) target(%dma_start3A_112 : memref<128xf32, #tpu.memory_space<vmem>>) offsets(%dma_start3A_114 : memref<128xi32, #tpu.memory_space<vmem>>) semaphore(%arg10 : memref<!tpu.dma_semaphore, #tpu.memory_space<semaphore_mem>>)
    %add3A_117 = arith.constant 128 : i32
    %add3A_118 = vector.broadcast %add3A_117 : i32 to vector<16xi32>
    %add3A_119 = arith.addi %add3A_118, %iota3A : vector<16xi32>
    %rem3A_120 = arith.constant 26 : i32
    %rem3A_121 = vector.broadcast %rem3A_120 : i32 to vector<16xi32>
    %rem3A_122 = arith.remsi %add3A_119, %rem3A_121 : vector<16xi32>
    %get3A_123 = arith.constant 128 : index
    %get3A_124 = tpu.vector_load %arg6[%get3A_123] {strides = array<i32>} : memref<13312xi32, #tpu.memory_space<vmem>>, vector<16xi32>,
    %mul3A_125 = arith.constant 100000 : i32
    %mul3A_126 = vector.broadcast %mul3A_125 : i32 to vector<16xi32>
    %mul3A_127 = arith.muli %rem3A_122, %mul3A_126 : vector<16xi32>
    %add3A_128 = arith.addi %get3A_124, %mul3A_127 : vector<16xi32>
    %swap3A_129 = arith.constant 128 : index
    %swap3A_130 = tpu.vector_load %arg6[%swap3A_129] {strides = array<i32>} : memref<13312xi32, #tpu.memory_space<vmem>>, vector<16xi32>,
    tpu.vector_store %arg6[%swap3A_129], %add3A_128 {strides = array<i32>} : memref<13312xi32, #tpu.memory_space<vmem>>, vector<16xi32>,
    %add3A_131 = arith.constant 144 : i32
    %add3A_132 = vector.broadcast %add3A_131 : i32 to vector<16xi32>
    %add3A_133 = arith.addi %add3A_132, %iota3A : vector<16xi32>
    %rem3A_134 = arith.constant 26 : i32
    %rem3A_135 = vector.broadcast %rem3A_134 : i32 to vector<16xi32>
    %rem3A_136 = arith.remsi %add3A_133, %rem3A_135 : vector<16xi32>
    %get3A_137 = arith.constant 144 : index
    %get3A_138 = tpu.vector_load %arg6[%get3A_137] {strides = array<i32>} : memref<13312xi32, #tpu.memory_space<vmem>>, vector<16xi32>,
    %mul3A_139 = arith.constant 100000 : i32
    %mul3A_140 = vector.broadcast %mul3A_139 : i32 to vector<16xi32>
    %mul3A_141 = arith.muli %rem3A_136, %mul3A_140 : vector<16xi32>
    %add3A_142 = arith.addi %get3A_138, %mul3A_141 : vector<16xi32>
    %swap3A_143 = arith.constant 144 : index
    %swap3A_144 = tpu.vector_load %arg6[%swap3A_143] {strides = array<i32>} : memref<13312xi32, #tpu.memory_space<vmem>>, vector<16xi32>,
    tpu.vector_store %arg6[%swap3A_143], %add3A_142 {strides = array<i32>} : memref<13312xi32, #tpu.memory_space<vmem>>, vector<16xi32>,
    %add3A_145 = arith.constant 160 : i32
    %add3A_146 = vector.broadcast %add3A_145 : i32 to vector<16xi32>
    %add3A_147 = arith.addi %add3A_146, %iota3A : vector<16xi32>
    %rem3A_148 = arith.constant 26 : i32
    %rem3A_149 = vector.broadcast %rem3A_148 : i32 to vector<16xi32>
    %rem3A_150 = arith.remsi %add3A_147, %rem3A_149 : vector<16xi32>
    %get3A_151 = arith.constant 160 : index
    %get3A_152 = tpu.vector_load %arg6[%get3A_151] {strides = array<i32>} : memref<13312xi32, #tpu.memory_space<vmem>>, vector<16xi32>,
    %mul3A_153 = arith.constant 100000 : i32
    %mul3A_154 = vector.broadcast %mul3A_153 : i32 to vector<16xi32>
    %mul3A_155 = arith.muli %rem3A_150, %mul3A_154 : vector<16xi32>
    %add3A_156 = arith.addi %get3A_152, %mul3A_155 : vector<16xi32>
    %swap3A_157 = arith.constant 160 : index
    %swap3A_158 = tpu.vector_load %arg6[%swap3A_157] {strides = array<i32>} : memref<13312xi32, #tpu.memory_space<vmem>>, vector<16xi32>,
    tpu.vector_store %arg6[%swap3A_157], %add3A_156 {strides = array<i32>} : memref<13312xi32, #tpu.memory_space<vmem>>, vector<16xi32>,
    %add3A_159 = arith.constant 176 : i32
    %add3A_160 = vector.broadcast %add3A_159 : i32 to vector<16xi32>
    %add3A_161 = arith.addi %add3A_160, %iota3A : vector<16xi32>
    %rem3A_162 = arith.constant 26 : i32
    %rem3A_163 = vector.broadcast %rem3A_162 : i32 to vector<16xi32>
    %rem3A_164 = arith.remsi %add3A_161, %rem3A_163 : vector<16xi32>
    %get3A_165 = arith.constant 176 : index
    %get3A_166 = tpu.vector_load %arg6[%get3A_165] {strides = array<i32>} : memref<13312xi32, #tpu.memory_space<vmem>>, vector<16xi32>,
    %mul3A_167 = arith.constant 100000 : i32
    %mul3A_168 = vector.broadcast %mul3A_167 : i32 to vector<16xi32>
    %mul3A_169 = arith.muli %rem3A_164, %mul3A_168 : vector<16xi32>
    %add3A_170 = arith.addi %get3A_166, %mul3A_169 : vector<16xi32>
    %swap3A_171 = arith.constant 176 : index
    %swap3A_172 = tpu.vector_load %arg6[%swap3A_171] {strides = array<i32>} : memref<13312xi32, #tpu.memory_space<vmem>>, vector<16xi32>,
    tpu.vector_store %arg6[%swap3A_171], %add3A_170 {strides = array<i32>} : memref<13312xi32, #tpu.memory_space<vmem>>, vector<16xi32>,
    %add3A_173 = arith.constant 192 : i32
    %add3A_174 = vector.broadcast %add3A_173 : i32 to vector<16xi32>
    %add3A_175 = arith.addi %add3A_174, %iota3A : vector<16xi32>
    %rem3A_176 = arith.constant 26 : i32
    %rem3A_177 = vector.broadcast %rem3A_176 : i32 to vector<16xi32>
    %rem3A_178 = arith.remsi %add3A_175, %rem3A_177 : vector<16xi32>
    %get3A_179 = arith.constant 192 : index
    %get3A_180 = tpu.vector_load %arg6[%get3A_179] {strides = array<i32>} : memref<13312xi32, #tpu.memory_space<vmem>>, vector<16xi32>,
    %mul3A_181 = arith.constant 100000 : i32
    %mul3A_182 = vector.broadcast %mul3A_181 : i32 to vector<16xi32>
    %mul3A_183 = arith.muli %rem3A_178, %mul3A_182 : vector<16xi32>
    %add3A_184 = arith.addi %get3A_180, %mul3A_183 : vector<16xi32>
    %swap3A_185 = arith.constant 192 : index
    %swap3A_186 = tpu.vector_load %arg6[%swap3A_185] {strides = array<i32>} : memref<13312xi32, #tpu.memory_space<vmem>>, vector<16xi32>,
    tpu.vector_store %arg6[%swap3A_185], %add3A_184 {strides = array<i32>} : memref<13312xi32, #tpu.memory_space<vmem>>, vector<16xi32>,
    %add3A_187 = arith.constant 208 : i32
    %add3A_188 = vector.broadcast %add3A_187 : i32 to vector<16xi32>
    %add3A_189 = arith.addi %add3A_188, %iota3A : vector<16xi32>
    %rem3A_190 = arith.constant 26 : i32
    %rem3A_191 = vector.broadcast %rem3A_190 : i32 to vector<16xi32>
    %rem3A_192 = arith.remsi %add3A_189, %rem3A_191 : vector<16xi32>
    %get3A_193 = arith.constant 208 : index
    %get3A_194 = tpu.vector_load %arg6[%get3A_193] {strides = array<i32>} : memref<13312xi32, #tpu.memory_space<vmem>>, vector<16xi32>,
    %mul3A_195 = arith.constant 100000 : i32
    %mul3A_196 = vector.broadcast %mul3A_195 : i32 to vector<16xi32>
    %mul3A_197 = arith.muli %rem3A_192, %mul3A_196 : vector<16xi32>
    %add3A_198 = arith.addi %get3A_194, %mul3A_197 : vector<16xi32>
    %swap3A_199 = arith.constant 208 : index
    %swap3A_200 = tpu.vector_load %arg6[%swap3A_199] {strides = array<i32>} : memref<13312xi32, #tpu.memory_space<vmem>>, vector<16xi32>,
    tpu.vector_store %arg6[%swap3A_199], %add3A_198 {strides = array<i32>} : memref<13312xi32, #tpu.memory_space<vmem>>, vector<16xi32>,
    %add3A_201 = arith.constant 224 : i32
    %add3A_202 = vector.broadcast %add3A_201 : i32 to vector<16xi32>
    %add3A_203 = arith.addi %add3A_202, %iota3A : vector<16xi32>
    %rem3A_204 = arith.constant 26 : i32
    %rem3A_205 = vector.broadcast %rem3A_204 : i32 to vector<16xi32>
    %rem3A_206 = arith.remsi %add3A_203, %rem3A_205 : vector<16xi32>
    %get3A_207 = arith.constant 224 : index
    %get3A_208 = tpu.vector_load %arg6[%get3A_207] {strides = array<i32>} : memref<13312xi32, #tpu.memory_space<vmem>>, vector<16xi32>,
    %mul3A_209 = arith.constant 100000 : i32
    %mul3A_210 = vector.broadcast %mul3A_209 : i32 to vector<16xi32>
    %mul3A_211 = arith.muli %rem3A_206, %mul3A_210 : vector<16xi32>
    %add3A_212 = arith.addi %get3A_208, %mul3A_211 : vector<16xi32>
    %swap3A_213 = arith.constant 224 : index
    %swap3A_214 = tpu.vector_load %arg6[%swap3A_213] {strides = array<i32>} : memref<13312xi32, #tpu.memory_space<vmem>>, vector<16xi32>,
    tpu.vector_store %arg6[%swap3A_213], %add3A_212 {strides = array<i32>} : memref<13312xi32, #tpu.memory_space<vmem>>, vector<16xi32>,
    %add3A_215 = arith.constant 240 : i32
    %add3A_216 = vector.broadcast %add3A_215 : i32 to vector<16xi32>
    %add3A_217 = arith.addi %add3A_216, %iota3A : vector<16xi32>
    %rem3A_218 = arith.constant 26 : i32
    %rem3A_219 = vector.broadcast %rem3A_218 : i32 to vector<16xi32>
    %rem3A_220 = arith.remsi %add3A_217, %rem3A_219 : vector<16xi32>
    %get3A_221 = arith.constant 240 : index
    %get3A_222 = tpu.vector_load %arg6[%get3A_221] {strides = array<i32>} : memref<13312xi32, #tpu.memory_space<vmem>>, vector<16xi32>,
    %mul3A_223 = arith.constant 100000 : i32
    %mul3A_224 = vector.broadcast %mul3A_223 : i32 to vector<16xi32>
    %mul3A_225 = arith.muli %rem3A_220, %mul3A_224 : vector<16xi32>
    %add3A_226 = arith.addi %get3A_222, %mul3A_225 : vector<16xi32>
    %swap3A_227 = arith.constant 240 : index
    %swap3A_228 = tpu.vector_load %arg6[%swap3A_227] {strides = array<i32>} : memref<13312xi32, #tpu.memory_space<vmem>>, vector<16xi32>,
    tpu.vector_store %arg6[%swap3A_227], %add3A_226 {strides = array<i32>} : memref<13312xi32, #tpu.memory_space<vmem>>, vector<16xi32>,
    %dma_start3A_229 = arith.constant 128 : i32
    %dma_start3A_230 = tpu.memref_slice %arg7[%dma_start3A_229] : memref<13312xf32, #tpu.memory_space<vmem>> -> memref<128xf32, #tpu.memory_space<vmem>>
    %dma_start3A_231 = arith.constant 128 : i32
    %dma_start3A_232 = tpu.memref_slice %arg6[%dma_start3A_231] : memref<13312xi32, #tpu.memory_space<vmem>> -> memref<128xi32, #tpu.memory_space<vmem>>
    %dma_start3A_233 = arith.constant 0 : i32
    %dma_start3A_234 = tpu.memref_slice %arg3[%dma_start3A_233] : memref<2600000xf32, #tpu.memory_space<hbm>> -> memref<2600000xf32, #tpu.memory_space<hbm>>
    tpu.enqueue_indirect_dma source(%dma_start3A_234 : memref<2600000xf32, #tpu.memory_space<hbm>>) target(%dma_start3A_230 : memref<128xf32, #tpu.memory_space<vmem>>) offsets(%dma_start3A_232 : memref<128xi32, #tpu.memory_space<vmem>>) semaphore(%arg10 : memref<!tpu.dma_semaphore, #tpu.memory_space<semaphore_mem>>)
    %add3A_235 = arith.constant 256 : i32
    %add3A_236 = vector.broadcast %add3A_235 : i32 to vector<16xi32>
    %add3A_237 = arith.addi %add3A_236, %iota3A : vector<16xi32>
    %rem3A_238 = arith.constant 26 : i32
    %rem3A_239 = vector.broadcast %rem3A_238 : i32 to vector<16xi32>
    %rem3A_240 = arith.remsi %add3A_237, %rem3A_239 : vector<16xi32>
    %get3A_241 = arith.constant 256 : index
    %get3A_242 = tpu.vector_load %arg6[%get3A_241] {strides = array<i32>} : memref<13312xi32, #tpu.memory_space<vmem>>, vector<16xi32>,
    %mul3A_243 = arith.constant 100000 : i32
    %mul3A_244 = vector.broadcast %mul3A_243 : i32 to vector<16xi32>
    %mul3A_245 = arith.muli %rem3A_240, %mul3A_244 : vector<16xi32>
    %add3A_246 = arith.addi %get3A_242, %mul3A_245 : vector<16xi32>
    %swap3A_247 = arith.constant 256 : index
    %swap3A_248 = tpu.vector_load %arg6[%swap3A_247] {strides = array<i32>} : memref<13312xi32, #tpu.memory_space<vmem>>, vector<16xi32>,
    tpu.vector_store %arg6[%swap3A_247], %add3A_246 {strides = array<i32>} : memref<13312xi32, #tpu.memory_space<vmem>>, vector<16xi32>,
    %add3A_249 = arith.constant 272 : i32
    %add3A_250 = vector.broadcast %add3A_249 : i32 to vector<16xi32>
    %add3A_251 = arith.addi %add3A_250, %iota3A : vector<16xi32>
    %rem3A_252 = arith.constant 26 : i32
    %rem3A_253 = vector.broadcast %rem3A_252 : i32 to vector<16xi32>
    %rem3A_254 = arith.remsi %add3A_251, %rem3A_253 : vector<16xi32>
    %get3A_255 = arith.constant 272 : index
    %get3A_256 = tpu.vector_load %arg6[%get3A_255] {strides = array<i32>} : memref<13312xi32, #tpu.memory_space<vmem>>, vector<16xi32>,
    %mul3A_257 = arith.constant 100000 : i32
    %mul3A_258 = vector.broadcast %mul3A_257 : i32 to vector<16xi32>
    %mul3A_259 = arith.muli %rem3A_254, %mul3A_258 : vector<16xi32>
    %add3A_260 = arith.addi %get3A_256, %mul3A_259 : vector<16xi32>
    %swap3A_261 = arith.constant 272 : index
    %swap3A_262 = tpu.vector_load %arg6[%swap3A_261] {strides = array<i32>} : memref<13312xi32, #tpu.memory_space<vmem>>, vector<16xi32>,
    tpu.vector_store %arg6[%swap3A_261], %add3A_260 {strides = array<i32>} : memref<13312xi32, #tpu.memory_space<vmem>>, vector<16xi32>,
    %add3A_263 = arith.constant 288 : i32
    %add3A_264 = vector.broadcast %add3A_263 : i32 to vector<16xi32>
    %add3A_265 = arith.addi %add3A_264, %iota3A : vector<16xi32>
    %rem3A_266 = arith.constant 26 : i32
    %rem3A_267 = vector.broadcast %rem3A_266 : i32 to vector<16xi32>
    %rem3A_268 = arith.remsi %add3A_265, %rem3A_267 : vector<16xi32>
    %get3A_269 = arith.constant 288 : index
    %get3A_270 = tpu.vector_load %arg6[%get3A_269] {strides = array<i32>} : memref<13312xi32, #tpu.memory_space<vmem>>, vector<16xi32>,
    %mul3A_271 = arith.constant 100000 : i32
    %mul3A_272 = vector.broadcast %mul3A_271 : i32 to vector<16xi32>
    %mul3A_273 = arith.muli %rem3A_268, %mul3A_272 : vector<16xi32>
    %add3A_274 = arith.addi %get3A_270, %mul3A_273 : vector<16xi32>
    %swap3A_275 = arith.constant 288 : index
    %swap3A_276 = tpu.vector_load %arg6[%swap3A_275] {strides = array<i32>} : memref<13312xi32, #tpu.memory_space<vmem>>, vector<16xi32>,
    tpu.vector_store %arg6[%swap3A_275], %add3A_274 {strides = array<i32>} : memref<13312xi32, #tpu.memory_space<vmem>>, vector<16xi32>,
    %add3A_277 = arith.constant 304 : i32
    %add3A_278 = vector.broadcast %add3A_277 : i32 to vector<16xi32>
    %add3A_279 = arith.addi %add3A_278, %iota3A : vector<16xi32>
    %rem3A_280 = arith.constant 26 : i32
    %rem3A_281 = vector.broadcast %rem3A_280 : i32 to vector<16xi32>
    %rem3A_282 = arith.remsi %add3A_279, %rem3A_281 : vector<16xi32>
    %get3A_283 = arith.constant 304 : index
    %get3A_284 = tpu.vector_load %arg6[%get3A_283] {strides = array<i32>} : memref<13312xi32, #tpu.memory_space<vmem>>, vector<16xi32>,
    %mul3A_285 = arith.constant 100000 : i32
    %mul3A_286 = vector.broadcast %mul3A_285 : i32 to vector<16xi32>
    %mul3A_287 = arith.muli %rem3A_282, %mul3A_286 : vector<16xi32>
    %add3A_288 = arith.addi %get3A_284, %mul3A_287 : vector<16xi32>
    %swap3A_289 = arith.constant 304 : index
    %swap3A_290 = tpu.vector_load %arg6[%swap3A_289] {strides = array<i32>} : memref<13312xi32, #tpu.memory_space<vmem>>, vector<16xi32>,
    tpu.vector_store %arg6[%swap3A_289], %add3A_288 {strides = array<i32>} : memref<13312xi32, #tpu.memory_space<vmem>>, vector<16xi32>,
    %add3A_291 = arith.constant 320 : i32
    %add3A_292 = vector.broadcast %add3A_291 : i32 to vector<16xi32>
    %add3A_293 = arith.addi %add3A_292, %iota3A : vector<16xi32>
    %rem3A_294 = arith.constant 26 : i32
    %rem3A_295 = vector.broadcast %rem3A_294 : i32 to vector<16xi32>
    %rem3A_296 = arith.remsi %add3A_293, %rem3A_295 : vector<16xi32>
    %get3A_297 = arith.constant 320 : index
    %get3A_298 = tpu.vector_load %arg6[%get3A_297] {strides = array<i32>} : memref<13312xi32, #tpu.memory_space<vmem>>, vector<16xi32>,
    %mul3A_299 = arith.constant 100000 : i32
    %mul3A_300 = vector.broadcast %mul3A_299 : i32 to vector<16xi32>
    %mul3A_301 = arith.muli %rem3A_296, %mul3A_300 : vector<16xi32>
    %add3A_302 = arith.addi %get3A_298, %mul3A_301 : vector<16xi32>
    %swap3A_303 = arith.constant 320 : index
    %swap3A_304 = tpu.vector_load %arg6[%swap3A_303] {strides = array<i32>} : memref<13312xi32, #tpu.memory_space<vmem>>, vector<16xi32>,
    tpu.vector_store %arg6[%swap3A_303], %add3A_302 {strides = array<i32>} : memref<13312xi32, #tpu.memory_space<vmem>>, vector<16xi32>,
    %add3A_305 = arith.constant 336 : i32
    %add3A_306 = vector.broadcast %add3A_305 : i32 to vector<16xi32>
    %add3A_307 = arith.addi %add3A_306, %iota3A : vector<16xi32>
    %rem3A_308 = arith.constant 26 : i32
    %rem3A_309 = vector.broadcast %rem3A_308 : i32 to vector<16xi32>
    %rem3A_310 = arith.remsi %add3A_307, %rem3A_309 : vector<16xi32>
    %get3A_311 = arith.constant 336 : index
    %get3A_312 = tpu.vector_load %arg6[%get3A_311] {strides = array<i32>} : memref<13312xi32, #tpu.memory_space<vmem>>, vector<16xi32>,
    %mul3A_313 = arith.constant 100000 : i32
    %mul3A_314 = vector.broadcast %mul3A_313 : i32 to vector<16xi32>
    %mul3A_315 = arith.muli %rem3A_310, %mul3A_314 : vector<16xi32>
    %add3A_316 = arith.addi %get3A_312, %mul3A_315 : vector<16xi32>
    %swap3A_317 = arith.constant 336 : index
    %swap3A_318 = tpu.vector_load %arg6[%swap3A_317] {strides = array<i32>} : memref<13312xi32, #tpu.memory_space<vmem>>, vector<16xi32>,
    tpu.vector_store %arg6[%swap3A_317], %add3A_316 {strides = array<i32>} : memref<13312xi32, #tpu.memory_space<vmem>>, vector<16xi32>,
    %add3A_319 = arith.constant 352 : i32
    %add3A_320 = vector.broadcast %add3A_319 : i32 to vector<16xi32>
    %add3A_321 = arith.addi %add3A_320, %iota3A : vector<16xi32>
    %rem3A_322 = arith.constant 26 : i32
    %rem3A_323 = vector.broadcast %rem3A_322 : i32 to vector<16xi32>
    %rem3A_324 = arith.remsi %add3A_321, %rem3A_323 : vector<16xi32>
    %get3A_325 = arith.constant 352 : index
    %get3A_326 = tpu.vector_load %arg6[%get3A_325] {strides = array<i32>} : memref<13312xi32, #tpu.memory_space<vmem>>, vector<16xi32>,
    %mul3A_327 = arith.constant 100000 : i32
    %mul3A_328 = vector.broadcast %mul3A_327 : i32 to vector<16xi32>
    %mul3A_329 = arith.muli %rem3A_324, %mul3A_328 : vector<16xi32>
    %add3A_330 = arith.addi %get3A_326, %mul3A_329 : vector<16xi32>
    %swap3A_331 = arith.constant 352 : index
    %swap3A_332 = tpu.vector_load %arg6[%swap3A_331] {strides = array<i32>} : memref<13312xi32, #tpu.memory_space<vmem>>, vector<16xi32>,
    tpu.vector_store %arg6[%swap3A_331], %add3A_330 {strides = array<i32>} : memref<13312xi32, #tpu.memory_space<vmem>>, vector<16xi32>,
    %add3A_333 = arith.constant 368 : i32
    %add3A_334 = vector.broadcast %add3A_333 : i32 to vector<16xi32>
    %add3A_335 = arith.addi %add3A_334, %iota3A : vector<16xi32>
    %rem3A_336 = arith.constant 26 : i32
    %rem3A_337 = vector.broadcast %rem3A_336 : i32 to vector<16xi32>
    %rem3A_338 = arith.remsi %add3A_335, %rem3A_337 : vector<16xi32>
    %get3A_339 = arith.constant 368 : index
    %get3A_340 = tpu.vector_load %arg6[%get3A_339] {strides = array<i32>} : memref<13312xi32, #tpu.memory_space<vmem>>, vector<16xi32>,
    %mul3A_341 = arith.constant 100000 : i32
    %mul3A_342 = vector.broadcast %mul3A_341 : i32 to vector<16xi32>
    %mul3A_343 = arith.muli %rem3A_338, %mul3A_342 : vector<16xi32>
    %add3A_344 = arith.addi %get3A_340, %mul3A_343 : vector<16xi32>
    %swap3A_345 = arith.constant 368 : index
    %swap3A_346 = tpu.vector_load %arg6[%swap3A_345] {strides = array<i32>} : memref<13312xi32, #tpu.memory_space<vmem>>, vector<16xi32>,
    tpu.vector_store %arg6[%swap3A_345], %add3A_344 {strides = array<i32>} : memref<13312xi32, #tpu.memory_space<vmem>>, vector<16xi32>,
    %dma_start3A_347 = arith.constant 256 : i32
    %dma_start3A_348 = tpu.memref_slice %arg7[%dma_start3A_347] : memref<13312xf32, #tpu.memory_space<vmem>> -> memref<128xf32, #tpu.memory_space<vmem>>
    %dma_start3A_349 = arith.constant 256 : i32
    %dma_start3A_350 = tpu.memref_slice %arg6[%dma_start3A_349] : memref<13312xi32, #tpu.memory_space<vmem>> -> memref<128xi32, #tpu.memory_space<vmem>>
    %dma_start3A_351 = arith.constant 0 : i32
    %dma_start3A_352 = tpu.memref_slice %arg3[%dma_start3A_351] : memref<2600000xf32, #tpu.memory_space<hbm>> -> memref<2600000xf32, #tpu.memory_space<hbm>>
    tpu.enqueue_indirect_dma source(%dma_start3A_352 : memref<2600000xf32, #tpu.memory_space<hbm>>) target(%dma_start3A_348 : memref<128xf32, #tpu.memory_space<vmem>>) offsets(%dma_start3A_350 : memref<128xi32, #tpu.memory_space<vmem>>) semaphore(%arg10 : memref<!tpu.dma_semaphore, #tpu.memory_space<semaphore_mem>>)
    %add3A_353 = arith.constant 384 : i32
    %add3A_354 = vector.broadcast %add3A_353 : i32 to vector<16xi32>
    %add3A_355 = arith.addi %add3A_354, %iota3A : vector<16xi32>
    %rem3A_356 = arith.constant 26 : i32
    %rem3A_357 = vector.broadcast %rem3A_356 : i32 to vector<16xi32>
    %rem3A_358 = arith.remsi %add3A_355, %rem3A_357 : vector<16xi32>
    %get3A_359 = arith.constant 384 : index
    %get3A_360 = tpu.vector_load %arg6[%get3A_359] {strides = array<i32>} : memref<13312xi32, #tpu.memory_space<vmem>>, vector<16xi32>,
    %mul3A_361 = arith.constant 100000 : i32
    %mul3A_362 = vector.broadcast %mul3A_361 : i32 to vector<16xi32>
    %mul3A_363 = arith.muli %rem3A_358, %mul3A_362 : vector<16xi32>
    %add3A_364 = arith.addi %get3A_360, %mul3A_363 : vector<16xi32>
    %swap3A_365 = arith.constant 384 : index
    %swap3A_366 = tpu.vector_load %arg6[%swap3A_365] {strides = array<i32>} : memref<13312xi32, #tpu.memory_space<vmem>>, vector<16xi32>,
    tpu.vector_store %arg6[%swap3A_365], %add3A_364 {strides = array<i32>} : memref<13312xi32, #tpu.memory_space<vmem>>, vector<16xi32>,
    %add3A_367 = arith.constant 400 : i32
    %add3A_368 = vector.broadcast %add3A_367 : i32 to vector<16xi32>
    %add3A_369 = arith.addi %add3A_368, %iota3A : vector<16xi32>
    %rem3A_370 = arith.constant 26 : i32
    %rem3A_371 = vector.broadcast %rem3A_370 : i32 to vector<16xi32>
    %rem3A_372 = arith.remsi %add3A_369, %rem3A_371 : vector<16xi32>
    %get3A_373 = arith.constant 400 : index
    %get3A_374 = tpu.vector_load %arg6[%get3A_373] {strides = array<i32>} : memref<13312xi32, #tpu.memory_space<vmem>>, vector<16xi32>,
    %mul3A_375 = arith.constant 100000 : i32
    %mul3A_376 = vector.broadcast %mul3A_375 : i32 to vector<16xi32>
    %mul3A_377 = arith.muli %rem3A_372, %mul3A_376 : vector<16xi32>
    %add3A_378 = arith.addi %get3A_374, %mul3A_377 : vector<16xi32>
    %swap3A_379 = arith.constant 400 : index
    %swap3A_380 = tpu.vector_load %arg6[%swap3A_379] {strides = array<i32>} : memref<13312xi32, #tpu.memory_space<vmem>>, vector<16xi32>,
    tpu.vector_store %arg6[%swap3A_379], %add3A_378 {strides = array<i32>} : memref<13312xi32, #tpu.memory_space<vmem>>, vector<16xi32>,
    %add3A_381 = arith.constant 416 : i32
    %add3A_382 = vector.broadcast %add3A_381 : i32 to vector<16xi32>
    %add3A_383 = arith.addi %add3A_382, %iota3A : vector<16xi32>
    %rem3A_384 = arith.constant 26 : i32
    %rem3A_385 = vector.broadcast %rem3A_384 : i32 to vector<16xi32>
    %rem3A_386 = arith.remsi %add3A_383, %rem3A_385 : vector<16xi32>
    %get3A_387 = arith.constant 416 : index
    %get3A_388 = tpu.vector_load %arg6[%get3A_387] {strides = array<i32>} : memref<13312xi32, #tpu.memory_space<vmem>>, vector<16xi32>,
    %mul3A_389 = arith.constant 100000 : i32
    %mul3A_390 = vector.broadcast %mul3A_389 : i32 to vector<16xi32>
    %mul3A_391 = arith.muli %rem3A_386, %mul3A_390 : vector<16xi32>
    %add3A_392 = arith.addi %get3A_388, %mul3A_391 : vector<16xi32>
    %swap3A_393 = arith.constant 416 : index
    %swap3A_394 = tpu.vector_load %arg6[%swap3A_393] {strides = array<i32>} : memref<13312xi32, #tpu.memory_space<vmem>>, vector<16xi32>,
    tpu.vector_store %arg6[%swap3A_393], %add3A_392 {strides = array<i32>} : memref<13312xi32, #tpu.memory_space<vmem>>, vector<16xi32>,
    %add3A_395 = arith.constant 432 : i32
    %add3A_396 = vector.broadcast %add3A_395 : i32 to vector<16xi32>
    %add3A_397 = arith.addi %add3A_396, %iota3A : vector<16xi32>
    %rem3A_398 = arith.constant 26 : i32
    %rem3A_399 = vector.broadcast %rem3A_398 : i32 to vector<16xi32>
    %rem3A_400 = arith.remsi %add3A_397, %rem3A_399 : vector<16xi32>
    %get3A_401 = arith.constant 432 : index
    %get3A_402 = tpu.vector_load %arg6[%get3A_401] {strides = array<i32>} : memref<13312xi32, #tpu.memory_space<vmem>>, vector<16xi32>,
    %mul3A_403 = arith.constant 100000 : i32
    %mul3A_404 = vector.broadcast %mul3A_403 : i32 to vector<16xi32>
    %mul3A_405 = arith.muli %rem3A_400, %mul3A_404 : vector<16xi32>
    %add3A_406 = arith.addi %get3A_402, %mul3A_405 : vector<16xi32>
    %swap3A_407 = arith.constant 432 : index
    %swap3A_408 = tpu.vector_load %arg6[%swap3A_407] {strides = array<i32>} : memref<13312xi32, #tpu.memory_space<vmem>>, vector<16xi32>,
    tpu.vector_store %arg6[%swap3A_407], %add3A_406 {strides = array<i32>} : memref<13312xi32, #tpu.memory_space<vmem>>, vector<16xi32>,
    %add3A_409 = arith.constant 448 : i32
    %add3A_410 = vector.broadcast %add3A_409 : i32 to vector<16xi32>
    %add3A_411 = arith.addi %add3A_410, %iota3A : vector<16xi32>
    %rem3A_412 = arith.constant 26 : i32
    %rem3A_413 = vector.broadcast %rem3A_412 : i32 to vector<16xi32>
    %rem3A_414 = arith.remsi %add3A_411, %rem3A_413 : vector<16xi32>
    %get3A_415 = arith.constant 448 : index
    %get3A_416 = tpu.vector_load %arg6[%get3A_415] {strides = array<i32>} : memref<13312xi32, #tpu.memory_space<vmem>>, vector<16xi32>,
    %mul3A_417 = arith.constant 100000 : i32
    %mul3A_418 = vector.broadcast %mul3A_417 : i32 to vector<16xi32>
    %mul3A_419 = arith.muli %rem3A_414, %mul3A_418 : vector<16xi32>
    %add3A_420 = arith.addi %get3A_416, %mul3A_419 : vector<16xi32>
    %swap3A_421 = arith.constant 448 : index
    %swap3A_422 = tpu.vector_load %arg6[%swap3A_421] {strides = array<i32>} : memref<13312xi32, #tpu.memory_space<vmem>>, vector<16xi32>,
    tpu.vector_store %arg6[%swap3A_421], %add3A_420 {strides = array<i32>} : memref<13312xi32, #tpu.memory_space<vmem>>, vector<16xi32>,
    %add3A_423 = arith.constant 464 : i32
    %add3A_424 = vector.broadcast %add3A_423 : i32 to vector<16xi32>
    %add3A_425 = arith.addi %add3A_424, %iota3A : vector<16xi32>
    %rem3A_426 = arith.constant 26 : i32
    %rem3A_427 = vector.broadcast %rem3A_426 : i32 to vector<16xi32>
    %rem3A_428 = arith.remsi %add3A_425, %rem3A_427 : vector<16xi32>
    %get3A_429 = arith.constant 464 : index
    %get3A_430 = tpu.vector_load %arg6[%get3A_429] {strides = array<i32>} : memref<13312xi32, #tpu.memory_space<vmem>>, vector<16xi32>,
    %mul3A_431 = arith.constant 100000 : i32
    %mul3A_432 = vector.broadcast %mul3A_431 : i32 to vector<16xi32>
    %mul3A_433 = arith.muli %rem3A_428, %mul3A_432 : vector<16xi32>
    %add3A_434 = arith.addi %get3A_430, %mul3A_433 : vector<16xi32>
    %swap3A_435 = arith.constant 464 : index
    %swap3A_436 = tpu.vector_load %arg6[%swap3A_435] {strides = array<i32>} : memref<13312xi32, #tpu.memory_space<vmem>>, vector<16xi32>,
    tpu.vector_store %arg6[%swap3A_435], %add3A_434 {strides = array<i32>} : memref<13312xi32, #tpu.memory_space<vmem>>, vector<16xi32>,
    %add3A_437 = arith.constant 480 : i32
    %add3A_438 = vector.broadcast %add3A_437 : i32 to vector<16xi32>
    %add3A_439 = arith.addi %add3A_438, %iota3A : vector<16xi32>
    %rem3A_440 = arith.constant 26 : i32
    %rem3A_441 = vector.broadcast %rem3A_440 : i32 to vector<16xi32>
    %rem3A_442 = arith.remsi %add3A_439, %rem3A_441 : vector<16xi32>
    %get3A_443 = arith.constant 480 : index
    %get3A_444 = tpu.vector_load %arg6[%get3A_443] {strides = array<i32>} : memref<13312xi32, #tpu.memory_space<vmem>>, vector<16xi32>,
    %mul3A_445 = arith.constant 100000 : i32
    %mul3A_446 = vector.broadcast %mul3A_445 : i32 to vector<16xi32>
    %mul3A_447 = arith.muli %rem3A_442, %mul3A_446 : vector<16xi32>
    %add3A_448 = arith.addi %get3A_444, %mul3A_447 : vector<16xi32>
    %swap3A_449 = arith.constant 480 : index
    %swap3A_450 = tpu.vector_load %arg6[%swap3A_449] {strides = array<i32>} : memref<13312xi32, #tpu.memory_space<vmem>>, vector<16xi32>,
    tpu.vector_store %arg6[%swap3A_449], %add3A_448 {strides = array<i32>} : memref<13312xi32, #tpu.memory_space<vmem>>, vector<16xi32>,
    %add3A_451 = arith.constant 496 : i32
    %add3A_452 = vector.broadcast %add3A_451 : i32 to vector<16xi32>
    %add3A_453 = arith.addi %add3A_452, %iota3A : vector<16xi32>
    %rem3A_454 = arith.constant 26 : i32
    %rem3A_455 = vector.broadcast %rem3A_454 : i32 to vector<16xi32>
    %rem3A_456 = arith.remsi %add3A_453, %rem3A_455 : vector<16xi32>
    %get3A_457 = arith.constant 496 : index
    %get3A_458 = tpu.vector_load %arg6[%get3A_457] {strides = array<i32>} : memref<13312xi32, #tpu.memory_space<vmem>>, vector<16xi32>,
    %mul3A_459 = arith.constant 100000 : i32
    %mul3A_460 = vector.broadcast %mul3A_459 : i32 to vector<16xi32>
    %mul3A_461 = arith.muli %rem3A_456, %mul3A_460 : vector<16xi32>
    %add3A_462 = arith.addi %get3A_458, %mul3A_461 : vector<16xi32>
    %swap3A_463 = arith.constant 496 : index
    %swap3A_464 = tpu.vector_load %arg6[%swap3A_463] {strides = array<i32>} : memref<13312xi32, #tpu.memory_space<vmem>>, vector<16xi32>,
    tpu.vector_store %arg6[%swap3A_463], %add3A_462 {strides = array<i32>} : memref<13312xi32, #tpu.memory_space<vmem>>, vector<16xi32>,
    %dma_start3A_465 = arith.constant 384 : i32
    %dma_start3A_466 = tpu.memref_slice %arg7[%dma_start3A_465] : memref<13312xf32, #tpu.memory_space<vmem>> -> memref<128xf32, #tpu.memory_space<vmem>>
    %dma_start3A_467 = arith.constant 384 : i32
    %dma_start3A_468 = tpu.memref_slice %arg6[%dma_start3A_467] : memref<13312xi32, #tpu.memory_space<vmem>> -> memref<128xi32, #tpu.memory_space<vmem>>
    %dma_start3A_469 = arith.constant 0 : i32
    %dma_start3A_470 = tpu.memref_slice %arg3[%dma_start3A_469] : memref<2600000xf32, #tpu.memory_space<hbm>> -> memref<2600000xf32, #tpu.memory_space<hbm>>
    tpu.enqueue_indirect_dma source(%dma_start3A_470 : memref<2600000xf32, #tpu.memory_space<hbm>>) target(%dma_start3A_466 : memref<128xf32, #tpu.memory_space<vmem>>) offsets(%dma_start3A_468 : memref<128xi32, #tpu.memory_space<vmem>>) semaphore(%arg10 : memref<!tpu.dma_semaphore, #tpu.memory_space<semaphore_mem>>)
    %add3A_471 = arith.constant 512 : i32
    %add3A_472 = vector.broadcast %add3A_471 : i32 to vector<16xi32>
    %add3A_473 = arith.addi %add3A_472, %iota3A : vector<16xi32>
    %rem3A_474 = arith.constant 26 : i32
    %rem3A_475 = vector.broadcast %rem3A_474 : i32 to vector<16xi32>
    %rem3A_476 = arith.remsi %add3A_473, %rem3A_475 : vector<16xi32>
    %get3A_477 = arith.constant 512 : index
    %get3A_478 = tpu.vector_load %arg6[%get3A_477] {strides = array<i32>} : memref<13312xi32, #tpu.memory_space<vmem>>, vector<16xi32>,
    %mul3A_479 = arith.constant 100000 : i32
    %mul3A_480 = vector.broadcast %mul3A_479 : i32 to vector<16xi32>
    %mul3A_481 = arith.muli %rem3A_476, %mul3A_480 : vector<16xi32>
    %add3A_482 = arith.addi %get3A_478, %mul3A_481 : vector<16xi32>
    %swap3A_483 = arith.constant 512 : index
    %swap3A_484 = tpu.vector_load %arg6[%swap3A_483] {strides = array<i32>} : memref<13312xi32, #tpu.memory_space<vmem>>, vector<16xi32>,
    tpu.vector_store %arg6[%swap3A_483], %add3A_482 {strides = array<i32>} : memref<13312xi32, #tpu.memory_space<vmem>>, vector<16xi32>,
    %add3A_485 = arith.constant 528 : i32
    %add3A_486 = vector.broadcast %add3A_485 : i32 to vector<16xi32>
    %add3A_487 = arith.addi %add3A_486, %iota3A : vector<16xi32>
    %rem3A_488 = arith.constant 26 : i32
    %rem3A_489 = vector.broadcast %rem3A_488 : i32 to vector<16xi32>
    %rem3A_490 = arith.remsi %add3A_487, %rem3A_489 : vector<16xi32>
    %get3A_491 = arith.constant 528 : index
    %get3A_492 = tpu.vector_load %arg6[%get3A_491] {strides = array<i32>} : memref<13312xi32, #tpu.memory_space<vmem>>, vector<16xi32>,
    %mul3A_493 = arith.constant 100000 : i32
    %mul3A_494 = vector.broadcast %mul3A_493 : i32 to vector<16xi32>
    %mul3A_495 = arith.muli %rem3A_490, %mul3A_494 : vector<16xi32>
    %add3A_496 = arith.addi %get3A_492, %mul3A_495 : vector<16xi32>
    %swap3A_497 = arith.constant 528 : index
    %swap3A_498 = tpu.vector_load %arg6[%swap3A_497] {strides = array<i32>} : memref<13312xi32, #tpu.memory_space<vmem>>, vector<16xi32>,
    tpu.vector_store %arg6[%swap3A_497], %add3A_496 {strides = array<i32>} : memref<13312xi32, #tpu.memory_space<vmem>>, vector<16xi32>,
    %add3A_499 = arith.constant 544 : i32
    %add3A_500 = vector.broadcast %add3A_499 : i32 to vector<16xi32>
    %add3A_501 = arith.addi %add3A_500, %iota3A : vector<16xi32>
    %rem3A_502 = arith.constant 26 : i32
    %rem3A_503 = vector.broadcast %rem3A_502 : i32 to vector<16xi32>
    %rem3A_504 = arith.remsi %add3A_501, %rem3A_503 : vector<16xi32>
    %get3A_505 = arith.constant 544 : index
    %get3A_506 = tpu.vector_load %arg6[%get3A_505] {strides = array<i32>} : memref<13312xi32, #tpu.memory_space<vmem>>, vector<16xi32>,
    %mul3A_507 = arith.constant 100000 : i32
    %mul3A_508 = vector.broadcast %mul3A_507 : i32 to vector<16xi32>
    %mul3A_509 = arith.muli %rem3A_504, %mul3A_508 : vector<16xi32>
    %add3A_510 = arith.addi %get3A_506, %mul3A_509 : vector<16xi32>
    %swap3A_511 = arith.constant 544 : index
    %swap3A_512 = tpu.vector_load %arg6[%swap3A_511] {strides = array<i32>} : memref<13312xi32, #tpu.memory_space<vmem>>, vector<16xi32>,
    tpu.vector_store %arg6[%swap3A_511], %add3A_510 {strides = array<i32>} : memref<13312xi32, #tpu.memory_space<vmem>>, vector<16xi32>,
    %add3A_513 = arith.constant 560 : i32
    %add3A_514 = vector.broadcast %add3A_513 : i32 to vector<16xi32>
    %add3A_515 = arith.addi %add3A_514, %iota3A : vector<16xi32>
    %rem3A_516 = arith.constant 26 : i32
    %rem3A_517 = vector.broadcast %rem3A_516 : i32 to vector<16xi32>
    %rem3A_518 = arith.remsi %add3A_515, %rem3A_517 : vector<16xi32>
    %get3A_519 = arith.constant 560 : index
    %get3A_520 = tpu.vector_load %arg6[%get3A_519] {strides = array<i32>} : memref<13312xi32, #tpu.memory_space<vmem>>, vector<16xi32>,
    %mul3A_521 = arith.constant 100000 : i32
    %mul3A_522 = vector.broadcast %mul3A_521 : i32 to vector<16xi32>
    %mul3A_523 = arith.muli %rem3A_518, %mul3A_522 : vector<16xi32>
    %add3A_524 = arith.addi %get3A_520, %mul3A_523 : vector<16xi32>
    %swap3A_525 = arith.constant 560 : index
    %swap3A_526 = tpu.vector_load %arg6[%swap3A_525] {strides = array<i32>} : memref<13312xi32, #tpu.memory_space<vmem>>, vector<16xi32>,
    tpu.vector_store %arg6[%swap3A_525], %add3A_524 {strides = array<i32>} : memref<13312xi32, #tpu.memory_space<vmem>>, vector<16xi32>,
    %add3A_527 = arith.constant 576 : i32
    %add3A_528 = vector.broadcast %add3A_527 : i32 to vector<16xi32>
    %add3A_529 = arith.addi %add3A_528, %iota3A : vector<16xi32>
    %rem3A_530 = arith.constant 26 : i32
    %rem3A_531 = vector.broadcast %rem3A_530 : i32 to vector<16xi32>
    %rem3A_532 = arith.remsi %add3A_529, %rem3A_531 : vector<16xi32>
    %get3A_533 = arith.constant 576 : index
    %get3A_534 = tpu.vector_load %arg6[%get3A_533] {strides = array<i32>} : memref<13312xi32, #tpu.memory_space<vmem>>, vector<16xi32>,
    %mul3A_535 = arith.constant 100000 : i32
    %mul3A_536 = vector.broadcast %mul3A_535 : i32 to vector<16xi32>
    %mul3A_537 = arith.muli %rem3A_532, %mul3A_536 : vector<16xi32>
    %add3A_538 = arith.addi %get3A_534, %mul3A_537 : vector<16xi32>
    %swap3A_539 = arith.constant 576 : index
    %swap3A_540 = tpu.vector_load %arg6[%swap3A_539] {strides = array<i32>} : memref<13312xi32, #tpu.memory_space<vmem>>, vector<16xi32>,
    tpu.vector_store %arg6[%swap3A_539], %add3A_538 {strides = array<i32>} : memref<13312xi32, #tpu.memory_space<vmem>>, vector<16xi32>,
    %add3A_541 = arith.constant 592 : i32
    %add3A_542 = vector.broadcast %add3A_541 : i32 to vector<16xi32>
    %add3A_543 = arith.addi %add3A_542, %iota3A : vector<16xi32>
    %rem3A_544 = arith.constant 26 : i32
    %rem3A_545 = vector.broadcast %rem3A_544 : i32 to vector<16xi32>
    %rem3A_546 = arith.remsi %add3A_543, %rem3A_545 : vector<16xi32>
    %get3A_547 = arith.constant 592 : index
    %get3A_548 = tpu.vector_load %arg6[%get3A_547] {strides = array<i32>} : memref<13312xi32, #tpu.memory_space<vmem>>, vector<16xi32>,
    %mul3A_549 = arith.constant 100000 : i32
    %mul3A_550 = vector.broadcast %mul3A_549 : i32 to vector<16xi32>
    %mul3A_551 = arith.muli %rem3A_546, %mul3A_550 : vector<16xi32>
    %add3A_552 = arith.addi %get3A_548, %mul3A_551 : vector<16xi32>
    %swap3A_553 = arith.constant 592 : index
    %swap3A_554 = tpu.vector_load %arg6[%swap3A_553] {strides = array<i32>} : memref<13312xi32, #tpu.memory_space<vmem>>, vector<16xi32>,
    tpu.vector_store %arg6[%swap3A_553], %add3A_552 {strides = array<i32>} : memref<13312xi32, #tpu.memory_space<vmem>>, vector<16xi32>,
    %add3A_555 = arith.constant 608 : i32
    %add3A_556 = vector.broadcast %add3A_555 : i32 to vector<16xi32>
    %add3A_557 = arith.addi %add3A_556, %iota3A : vector<16xi32>
    %rem3A_558 = arith.constant 26 : i32
    %rem3A_559 = vector.broadcast %rem3A_558 : i32 to vector<16xi32>
    %rem3A_560 = arith.remsi %add3A_557, %rem3A_559 : vector<16xi32>
    %get3A_561 = arith.constant 608 : index
    %get3A_562 = tpu.vector_load %arg6[%get3A_561] {strides = array<i32>} : memref<13312xi32, #tpu.memory_space<vmem>>, vector<16xi32>,
    %mul3A_563 = arith.constant 100000 : i32
    %mul3A_564 = vector.broadcast %mul3A_563 : i32 to vector<16xi32>
    %mul3A_565 = arith.muli %rem3A_560, %mul3A_564 : vector<16xi32>
    %add3A_566 = arith.addi %get3A_562, %mul3A_565 : vector<16xi32>
    %swap3A_567 = arith.constant 608 : index
    %swap3A_568 = tpu.vector_load %arg6[%swap3A_567] {strides = array<i32>} : memref<13312xi32, #tpu.memory_space<vmem>>, vector<16xi32>,
    tpu.vector_store %arg6[%swap3A_567], %add3A_566 {strides = array<i32>} : memref<13312xi32, #tpu.memory_space<vmem>>, vector<16xi32>,
    %add3A_569 = arith.constant 624 : i32
    %add3A_570 = vector.broadcast %add3A_569 : i32 to vector<16xi32>
    %add3A_571 = arith.addi %add3A_570, %iota3A : vector<16xi32>
    %rem3A_572 = arith.constant 26 : i32
    %rem3A_573 = vector.broadcast %rem3A_572 : i32 to vector<16xi32>
    %rem3A_574 = arith.remsi %add3A_571, %rem3A_573 : vector<16xi32>
    %get3A_575 = arith.constant 624 : index
    %get3A_576 = tpu.vector_load %arg6[%get3A_575] {strides = array<i32>} : memref<13312xi32, #tpu.memory_space<vmem>>, vector<16xi32>,
    %mul3A_577 = arith.constant 100000 : i32
    %mul3A_578 = vector.broadcast %mul3A_577 : i32 to vector<16xi32>
    %mul3A_579 = arith.muli %rem3A_574, %mul3A_578 : vector<16xi32>
    %add3A_580 = arith.addi %get3A_576, %mul3A_579 : vector<16xi32>
    %swap3A_581 = arith.constant 624 : index
    %swap3A_582 = tpu.vector_load %arg6[%swap3A_581] {strides = array<i32>} : memref<13312xi32, #tpu.memory_space<vmem>>, vector<16xi32>,
    tpu.vector_store %arg6[%swap3A_581], %add3A_580 {strides = array<i32>} : memref<13312xi32, #tpu.memory_space<vmem>>, vector<16xi32>,
    %dma_start3A_583 = arith.constant 512 : i32
    %dma_start3A_584 = tpu.memref_slice %arg7[%dma_start3A_583] : memref<13312xf32, #tpu.memory_space<vmem>> -> memref<128xf32, #tpu.memory_space<vmem>>
    %dma_start3A_585 = arith.constant 512 : i32
    %dma_start3A_586 = tpu.memref_slice %arg6[%dma_start3A_585] : memref<13312xi32, #tpu.memory_space<vmem>> -> memref<128xi32, #tpu.memory_space<vmem>>
    %dma_start3A_587 = arith.constant 0 : i32
    %dma_start3A_588 = tpu.memref_slice %arg3[%dma_start3A_587] : memref<2600000xf32, #tpu.memory_space<hbm>> -> memref<2600000xf32, #tpu.memory_space<hbm>>
    tpu.enqueue_indirect_dma source(%dma_start3A_588 : memref<2600000xf32, #tpu.memory_space<hbm>>) target(%dma_start3A_584 : memref<128xf32, #tpu.memory_space<vmem>>) offsets(%dma_start3A_586 : memref<128xi32, #tpu.memory_space<vmem>>) semaphore(%arg10 : memref<!tpu.dma_semaphore, #tpu.memory_space<semaphore_mem>>)
    %add3A_589 = arith.constant 640 : i32
    %add3A_590 = vector.broadcast %add3A_589 : i32 to vector<16xi32>
    %add3A_591 = arith.addi %add3A_590, %iota3A : vector<16xi32>
    %rem3A_592 = arith.constant 26 : i32
    %rem3A_593 = vector.broadcast %rem3A_592 : i32 to vector<16xi32>
    %rem3A_594 = arith.remsi %add3A_591, %rem3A_593 : vector<16xi32>
    %get3A_595 = arith.constant 640 : index
    %get3A_596 = tpu.vector_load %arg6[%get3A_595] {strides = array<i32>} : memref<13312xi32, #tpu.memory_space<vmem>>, vector<16xi32>,
    %mul3A_597 = arith.constant 100000 : i32
    %mul3A_598 = vector.broadcast %mul3A_597 : i32 to vector<16xi32>
    %mul3A_599 = arith.muli %rem3A_594, %mul3A_598 : vector<16xi32>
    %add3A_600 = arith.addi %get3A_596, %mul3A_599 : vector<16xi32>
    %swap3A_601 = arith.constant 640 : index
    %swap3A_602 = tpu.vector_load %arg6[%swap3A_601] {strides = array<i32>} : memref<13312xi32, #tpu.memory_space<vmem>>, vector<16xi32>,
    tpu.vector_store %arg6[%swap3A_601], %add3A_600 {strides = array<i32>} : memref<13312xi32, #tpu.memory_space<vmem>>, vector<16xi32>,
    %add3A_603 = arith.constant 656 : i32
    %add3A_604 = vector.broadcast %add3A_603 : i32 to vector<16xi32>
    %add3A_605 = arith.addi %add3A_604, %iota3A : vector<16xi32>
    %rem3A_606 = arith.constant 26 : i32
    %rem3A_607 = vector.broadcast %rem3A_606 : i32 to vector<16xi32>
    %rem3A_608 = arith.remsi %add3A_605, %rem3A_607 : vector<16xi32>
    %get3A_609 = arith.constant 656 : index
    %get3A_610 = tpu.vector_load %arg6[%get3A_609] {strides = array<i32>} : memref<13312xi32, #tpu.memory_space<vmem>>, vector<16xi32>,
    %mul3A_611 = arith.constant 100000 : i32
    %mul3A_612 = vector.broadcast %mul3A_611 : i32 to vector<16xi32>
    %mul3A_613 = arith.muli %rem3A_608, %mul3A_612 : vector<16xi32>
    %add3A_614 = arith.addi %get3A_610, %mul3A_613 : vector<16xi32>
    %swap3A_615 = arith.constant 656 : index
    %swap3A_616 = tpu.vector_load %arg6[%swap3A_615] {strides = array<i32>} : memref<13312xi32, #tpu.memory_space<vmem>>, vector<16xi32>,
    tpu.vector_store %arg6[%swap3A_615], %add3A_614 {strides = array<i32>} : memref<13312xi32, #tpu.memory_space<vmem>>, vector<16xi32>,
    %add3A_617 = arith.constant 672 : i32
    %add3A_618 = vector.broadcast %add3A_617 : i32 to vector<16xi32>
    %add3A_619 = arith.addi %add3A_618, %iota3A : vector<16xi32>
    %rem3A_620 = arith.constant 26 : i32
    %rem3A_621 = vector.broadcast %rem3A_620 : i32 to vector<16xi32>
    %rem3A_622 = arith.remsi %add3A_619, %rem3A_621 : vector<16xi32>
    %get3A_623 = arith.constant 672 : index
    %get3A_624 = tpu.vector_load %arg6[%get3A_623] {strides = array<i32>} : memref<13312xi32, #tpu.memory_space<vmem>>, vector<16xi32>,
    %mul3A_625 = arith.constant 100000 : i32
    %mul3A_626 = vector.broadcast %mul3A_625 : i32 to vector<16xi32>
    %mul3A_627 = arith.muli %rem3A_622, %mul3A_626 : vector<16xi32>
    %add3A_628 = arith.addi %get3A_624, %mul3A_627 : vector<16xi32>
    %swap3A_629 = arith.constant 672 : index
    %swap3A_630 = tpu.vector_load %arg6[%swap3A_629] {strides = array<i32>} : memref<13312xi32, #tpu.memory_space<vmem>>, vector<16xi32>,
    tpu.vector_store %arg6[%swap3A_629], %add3A_628 {strides = array<i32>} : memref<13312xi32, #tpu.memory_space<vmem>>, vector<16xi32>,
    %add3A_631 = arith.constant 688 : i32
    %add3A_632 = vector.broadcast %add3A_631 : i32 to vector<16xi32>
    %add3A_633 = arith.addi %add3A_632, %iota3A : vector<16xi32>
    %rem3A_634 = arith.constant 26 : i32
    %rem3A_635 = vector.broadcast %rem3A_634 : i32 to vector<16xi32>
    %rem3A_636 = arith.remsi %add3A_633, %rem3A_635 : vector<16xi32>
    %get3A_637 = arith.constant 688 : index
    %get3A_638 = tpu.vector_load %arg6[%get3A_637] {strides = array<i32>} : memref<13312xi32, #tpu.memory_space<vmem>>, vector<16xi32>,
    %mul3A_639 = arith.constant 100000 : i32
    %mul3A_640 = vector.broadcast %mul3A_639 : i32 to vector<16xi32>
    %mul3A_641 = arith.muli %rem3A_636, %mul3A_640 : vector<16xi32>
    %add3A_642 = arith.addi %get3A_638, %mul3A_641 : vector<16xi32>
    %swap3A_643 = arith.constant 688 : index
    %swap3A_644 = tpu.vector_load %arg6[%swap3A_643] {strides = array<i32>} : memref<13312xi32, #tpu.memory_space<vmem>>, vector<16xi32>,
    tpu.vector_store %arg6[%swap3A_643], %add3A_642 {strides = array<i32>} : memref<13312xi32, #tpu.memory_space<vmem>>, vector<16xi32>,
    %add3A_645 = arith.constant 704 : i32
    %add3A_646 = vector.broadcast %add3A_645 : i32 to vector<16xi32>
    %add3A_647 = arith.addi %add3A_646, %iota3A : vector<16xi32>
    %rem3A_648 = arith.constant 26 : i32
    %rem3A_649 = vector.broadcast %rem3A_648 : i32 to vector<16xi32>
    %rem3A_650 = arith.remsi %add3A_647, %rem3A_649 : vector<16xi32>
    %get3A_651 = arith.constant 704 : index
    %get3A_652 = tpu.vector_load %arg6[%get3A_651] {strides = array<i32>} : memref<13312xi32, #tpu.memory_space<vmem>>, vector<16xi32>,
    %mul3A_653 = arith.constant 100000 : i32
    %mul3A_654 = vector.broadcast %mul3A_653 : i32 to vector<16xi32>
    %mul3A_655 = arith.muli %rem3A_650, %mul3A_654 : vector<16xi32>
    %add3A_656 = arith.addi %get3A_652, %mul3A_655 : vector<16xi32>
    %swap3A_657 = arith.constant 704 : index
    %swap3A_658 = tpu.vector_load %arg6[%swap3A_657] {strides = array<i32>} : memref<13312xi32, #tpu.memory_space<vmem>>, vector<16xi32>,
    tpu.vector_store %arg6[%swap3A_657], %add3A_656 {strides = array<i32>} : memref<13312xi32, #tpu.memory_space<vmem>>, vector<16xi32>,
    %add3A_659 = arith.constant 720 : i32
    %add3A_660 = vector.broadcast %add3A_659 : i32 to vector<16xi32>
    %add3A_661 = arith.addi %add3A_660, %iota3A : vector<16xi32>
    %rem3A_662 = arith.constant 26 : i32
    %rem3A_663 = vector.broadcast %rem3A_662 : i32 to vector<16xi32>
    %rem3A_664 = arith.remsi %add3A_661, %rem3A_663 : vector<16xi32>
    %get3A_665 = arith.constant 720 : index
    %get3A_666 = tpu.vector_load %arg6[%get3A_665] {strides = array<i32>} : memref<13312xi32, #tpu.memory_space<vmem>>, vector<16xi32>,
    %mul3A_667 = arith.constant 100000 : i32
    %mul3A_668 = vector.broadcast %mul3A_667 : i32 to vector<16xi32>
    %mul3A_669 = arith.muli %rem3A_664, %mul3A_668 : vector<16xi32>
    %add3A_670 = arith.addi %get3A_666, %mul3A_669 : vector<16xi32>
    %swap3A_671 = arith.constant 720 : index
    %swap3A_672 = tpu.vector_load %arg6[%swap3A_671] {strides = array<i32>} : memref<13312xi32, #tpu.memory_space<vmem>>, vector<16xi32>,
    tpu.vector_store %arg6[%swap3A_671], %add3A_670 {strides = array<i32>} : memref<13312xi32, #tpu.memory_space<vmem>>, vector<16xi32>,
    %add3A_673 = arith.constant 736 : i32
    %add3A_674 = vector.broadcast %add3A_673 : i32 to vector<16xi32>
    %add3A_675 = arith.addi %add3A_674, %iota3A : vector<16xi32>
    %rem3A_676 = arith.constant 26 : i32
    %rem3A_677 = vector.broadcast %rem3A_676 : i32 to vector<16xi32>
    %rem3A_678 = arith.remsi %add3A_675, %rem3A_677 : vector<16xi32>
    %get3A_679 = arith.constant 736 : index
    %get3A_680 = tpu.vector_load %arg6[%get3A_679] {strides = array<i32>} : memref<13312xi32, #tpu.memory_space<vmem>>, vector<16xi32>,
    %mul3A_681 = arith.constant 100000 : i32
    %mul3A_682 = vector.broadcast %mul3A_681 : i32 to vector<16xi32>
    %mul3A_683 = arith.muli %rem3A_678, %mul3A_682 : vector<16xi32>
    %add3A_684 = arith.addi %get3A_680, %mul3A_683 : vector<16xi32>
    %swap3A_685 = arith.constant 736 : index
    %swap3A_686 = tpu.vector_load %arg6[%swap3A_685] {strides = array<i32>} : memref<13312xi32, #tpu.memory_space<vmem>>, vector<16xi32>,
    tpu.vector_store %arg6[%swap3A_685], %add3A_684 {strides = array<i32>} : memref<13312xi32, #tpu.memory_space<vmem>>, vector<16xi32>,
    %add3A_687 = arith.constant 752 : i32
    %add3A_688 = vector.broadcast %add3A_687 : i32 to vector<16xi32>
    %add3A_689 = arith.addi %add3A_688, %iota3A : vector<16xi32>
    %rem3A_690 = arith.constant 26 : i32
    %rem3A_691 = vector.broadcast %rem3A_690 : i32 to vector<16xi32>
    %rem3A_692 = arith.remsi %add3A_689, %rem3A_691 : vector<16xi32>
    %get3A_693 = arith.constant 752 : index
    %get3A_694 = tpu.vector_load %arg6[%get3A_693] {strides = array<i32>} : memref<13312xi32, #tpu.memory_space<vmem>>, vector<16xi32>,
    %mul3A_695 = arith.constant 100000 : i32
    %mul3A_696 = vector.broadcast %mul3A_695 : i32 to vector<16xi32>
    %mul3A_697 = arith.muli %rem3A_692, %mul3A_696 : vector<16xi32>
    %add3A_698 = arith.addi %get3A_694, %mul3A_697 : vector<16xi32>
    %swap3A_699 = arith.constant 752 : index
    %swap3A_700 = tpu.vector_load %arg6[%swap3A_699] {strides = array<i32>} : memref<13312xi32, #tpu.memory_space<vmem>>, vector<16xi32>,
    tpu.vector_store %arg6[%swap3A_699], %add3A_698 {strides = array<i32>} : memref<13312xi32, #tpu.memory_space<vmem>>, vector<16xi32>,
    %dma_start3A_701 = arith.constant 640 : i32
    %dma_start3A_702 = tpu.memref_slice %arg7[%dma_start3A_701] : memref<13312xf32, #tpu.memory_space<vmem>> -> memref<128xf32, #tpu.memory_space<vmem>>
    %dma_start3A_703 = arith.constant 640 : i32
    %dma_start3A_704 = tpu.memref_slice %arg6[%dma_start3A_703] : memref<13312xi32, #tpu.memory_space<vmem>> -> memref<128xi32, #tpu.memory_space<vmem>>
    %dma_start3A_705 = arith.constant 0 : i32
    %dma_start3A_706 = tpu.memref_slice %arg3[%dma_start3A_705] : memref<2600000xf32, #tpu.memory_space<hbm>> -> memref<2600000xf32, #tpu.memory_space<hbm>>
    tpu.enqueue_indirect_dma source(%dma_start3A_706 : memref<2600000xf32, #tpu.memory_space<hbm>>) target(%dma_start3A_702 : memref<128xf32, #tpu.memory_space<vmem>>) offsets(%dma_start3A_704 : memref<128xi32, #tpu.memory_space<vmem>>) semaphore(%arg10 : memref<!tpu.dma_semaphore, #tpu.memory_space<semaphore_mem>>)
    %scan3A = arith.constant 0 : i32
    %scan3A_707 = arith.constant 98 : i32
    %scan3A_708 = arith.addi %scan3A, %scan3A_707 : i32
    %scan3A_709 = arith.constant 1 : i32
    scf.for %scan3A_763 = %scan3A to %scan3A_708 step %scan3A_709  : i32 {
      %add3A_764 = arith.constant 6 : i32
      %add3A_765 = arith.addi %scan3A_763, %add3A_764 : i32
      %mul3A_766 = arith.constant 128 : i32
      %mul3A_767 = arith.muli %add3A_765, %mul3A_766 : i32
      %jit3A = arith.constant 16 : i32
      %div3A = arith.divsi %mul3A_767, %jit3A : i32
      %sign3A = arith.constant 0 : i32
      %sign3A_768 = arith.cmpi sgt, %mul3A_767, %sign3A : i32
      %sign3A_769 = arith.extui %sign3A_768 : i1 to i32
      %sign3A_770 = arith.constant 0 : i32
      %sign3A_771 = arith.cmpi slt, %mul3A_767, %sign3A_770 : i32
      %sign3A_772 = arith.extui %sign3A_771 : i1 to i32
      %sign3A_773 = arith.subi %sign3A_769, %sign3A_772 : i32
      %sign3A_774 = arith.constant 0 : i32
      %sign3A_775 = arith.cmpi sgt, %jit3A, %sign3A_774 : i32
      %sign3A_776 = arith.extui %sign3A_775 : i1 to i32
      %sign3A_777 = arith.constant 0 : i32
      %sign3A_778 = arith.cmpi slt, %jit3A, %sign3A_777 : i32
      %sign3A_779 = arith.extui %sign3A_778 : i1 to i32
      %sign3A_780 = arith.subi %sign3A_776, %sign3A_779 : i32
      %ne3A = arith.cmpi ne, %sign3A_773, %sign3A_780 : i32
      %rem3A_781 = arith.remsi %mul3A_767, %jit3A : i32
      %ne3A_782 = arith.constant 0 : i32
      %ne3A_783 = arith.cmpi ne, %rem3A_781, %ne3A_782 : i32
      %and3A = arith.andi %ne3A, %ne3A_783 : i1
      %sub3A = arith.constant 1 : i32
      %sub3A_784 = arith.subi %div3A, %sub3A : i32
      %select_n3A = arith.select %and3A, %sub3A_784, %div3A : i32
      %add3A_785 = arith.constant 0 : i32
      %add3A_786 = arith.addi %select_n3A, %add3A_785 : i32
      %mul3A_787 = arith.constant 16 : i32
      %mul3A_788 = arith.muli %add3A_786, %mul3A_787 : i32
      %mul3A_789 = arith.constant 128 : i32
      %mul3A_790 = arith.muli %add3A_765, %mul3A_789 : i32
      %jit3A_791 = arith.constant 16 : i32
      %div3A_792 = arith.divsi %mul3A_790, %jit3A_791 : i32
      %sign3A_793 = arith.constant 0 : i32
      %sign3A_794 = arith.cmpi sgt, %mul3A_790, %sign3A_793 : i32
      %sign3A_795 = arith.extui %sign3A_794 : i1 to i32
      %sign3A_796 = arith.constant 0 : i32
      %sign3A_797 = arith.cmpi slt, %mul3A_790, %sign3A_796 : i32
      %sign3A_798 = arith.extui %sign3A_797 : i1 to i32
      %sign3A_799 = arith.subi %sign3A_795, %sign3A_798 : i32
      %sign3A_800 = arith.constant 0 : i32
      %sign3A_801 = arith.cmpi sgt, %jit3A_791, %sign3A_800 : i32
      %sign3A_802 = arith.extui %sign3A_801 : i1 to i32
      %sign3A_803 = arith.constant 0 : i32
      %sign3A_804 = arith.cmpi slt, %jit3A_791, %sign3A_803 : i32
      %sign3A_805 = arith.extui %sign3A_804 : i1 to i32
      %sign3A_806 = arith.subi %sign3A_802, %sign3A_805 : i32
      %ne3A_807 = arith.cmpi ne, %sign3A_799, %sign3A_806 : i32
      %rem3A_808 = arith.remsi %mul3A_790, %jit3A_791 : i32
      %ne3A_809 = arith.constant 0 : i32
      %ne3A_810 = arith.cmpi ne, %rem3A_808, %ne3A_809 : i32
      %and3A_811 = arith.andi %ne3A_807, %ne3A_810 : i1
      %sub3A_812 = arith.constant 1 : i32
      %sub3A_813 = arith.subi %div3A_792, %sub3A_812 : i32
      %select_n3A_814 = arith.select %and3A_811, %sub3A_813, %div3A_792 : i32
      %add3A_815 = arith.constant 0 : i32
      %add3A_816 = arith.addi %select_n3A_814, %add3A_815 : i32
      %mul3A_817 = arith.constant 16 : i32
      %mul3A_818 = arith.muli %add3A_816, %mul3A_817 : i32
      %add3A_819 = vector.broadcast %mul3A_818 : i32 to vector<16xi32>
      %add3A_820 = arith.addi %add3A_819, %iota3A : vector<16xi32>
      %rem3A_821 = arith.constant 26 : i32
      %rem3A_822 = vector.broadcast %rem3A_821 : i32 to vector<16xi32>
      %rem3A_823 = arith.remsi %add3A_820, %rem3A_822 : vector<16xi32>
      %get3A_824 = arith.index_cast %mul3A_788 : i32 to index
      %get3A_825 = tpu.vector_load %arg6[%get3A_824] {strides = array<i32>} : memref<13312xi32, #tpu.memory_space<vmem>>, vector<16xi32>,
      %mul3A_826 = arith.constant 100000 : i32
      %mul3A_827 = vector.broadcast %mul3A_826 : i32 to vector<16xi32>
      %mul3A_828 = arith.muli %rem3A_823, %mul3A_827 : vector<16xi32>
      %add3A_829 = arith.addi %get3A_825, %mul3A_828 : vector<16xi32>
      %swap3A_830 = arith.index_cast %mul3A_788 : i32 to index
      %swap3A_831 = tpu.vector_load %arg6[%swap3A_830] {strides = array<i32>} : memref<13312xi32, #tpu.memory_space<vmem>>, vector<16xi32>,
      tpu.vector_store %arg6[%swap3A_830], %add3A_829 {strides = array<i32>} : memref<13312xi32, #tpu.memory_space<vmem>>, vector<16xi32>,
      %mul3A_832 = arith.constant 128 : i32
      %mul3A_833 = arith.muli %add3A_765, %mul3A_832 : i32
      %jit3A_834 = arith.constant 16 : i32
      %div3A_835 = arith.divsi %mul3A_833, %jit3A_834 : i32
      %sign3A_836 = arith.constant 0 : i32
      %sign3A_837 = arith.cmpi sgt, %mul3A_833, %sign3A_836 : i32
      %sign3A_838 = arith.extui %sign3A_837 : i1 to i32
      %sign3A_839 = arith.constant 0 : i32
      %sign3A_840 = arith.cmpi slt, %mul3A_833, %sign3A_839 : i32
      %sign3A_841 = arith.extui %sign3A_840 : i1 to i32
      %sign3A_842 = arith.subi %sign3A_838, %sign3A_841 : i32
      %sign3A_843 = arith.constant 0 : i32
      %sign3A_844 = arith.cmpi sgt, %jit3A_834, %sign3A_843 : i32
      %sign3A_845 = arith.extui %sign3A_844 : i1 to i32
      %sign3A_846 = arith.constant 0 : i32
      %sign3A_847 = arith.cmpi slt, %jit3A_834, %sign3A_846 : i32
      %sign3A_848 = arith.extui %sign3A_847 : i1 to i32
      %sign3A_849 = arith.subi %sign3A_845, %sign3A_848 : i32
      %ne3A_850 = arith.cmpi ne, %sign3A_842, %sign3A_849 : i32
      %rem3A_851 = arith.remsi %mul3A_833, %jit3A_834 : i32
      %ne3A_852 = arith.constant 0 : i32
      %ne3A_853 = arith.cmpi ne, %rem3A_851, %ne3A_852 : i32
      %and3A_854 = arith.andi %ne3A_850, %ne3A_853 : i1
      %sub3A_855 = arith.constant 1 : i32
      %sub3A_856 = arith.subi %div3A_835, %sub3A_855 : i32
      %select_n3A_857 = arith.select %and3A_854, %sub3A_856, %div3A_835 : i32
      %add3A_858 = arith.constant 1 : i32
      %add3A_859 = arith.addi %select_n3A_857, %add3A_858 : i32
      %mul3A_860 = arith.constant 16 : i32
      %mul3A_861 = arith.muli %add3A_859, %mul3A_860 : i32
      %mul3A_862 = arith.constant 128 : i32
      %mul3A_863 = arith.muli %add3A_765, %mul3A_862 : i32
      %jit3A_864 = arith.constant 16 : i32
      %div3A_865 = arith.divsi %mul3A_863, %jit3A_864 : i32
      %sign3A_866 = arith.constant 0 : i32
      %sign3A_867 = arith.cmpi sgt, %mul3A_863, %sign3A_866 : i32
      %sign3A_868 = arith.extui %sign3A_867 : i1 to i32
      %sign3A_869 = arith.constant 0 : i32
      %sign3A_870 = arith.cmpi slt, %mul3A_863, %sign3A_869 : i32
      %sign3A_871 = arith.extui %sign3A_870 : i1 to i32
      %sign3A_872 = arith.subi %sign3A_868, %sign3A_871 : i32
      %sign3A_873 = arith.constant 0 : i32
      %sign3A_874 = arith.cmpi sgt, %jit3A_864, %sign3A_873 : i32
      %sign3A_875 = arith.extui %sign3A_874 : i1 to i32
      %sign3A_876 = arith.constant 0 : i32
      %sign3A_877 = arith.cmpi slt, %jit3A_864, %sign3A_876 : i32
      %sign3A_878 = arith.extui %sign3A_877 : i1 to i32
      %sign3A_879 = arith.subi %sign3A_875, %sign3A_878 : i32
      %ne3A_880 = arith.cmpi ne, %sign3A_872, %sign3A_879 : i32
      %rem3A_881 = arith.remsi %mul3A_863, %jit3A_864 : i32
      %ne3A_882 = arith.constant 0 : i32
      %ne3A_883 = arith.cmpi ne, %rem3A_881, %ne3A_882 : i32
      %and3A_884 = arith.andi %ne3A_880, %ne3A_883 : i1
      %sub3A_885 = arith.constant 1 : i32
      %sub3A_886 = arith.subi %div3A_865, %sub3A_885 : i32
      %select_n3A_887 = arith.select %and3A_884, %sub3A_886, %div3A_865 : i32
      %add3A_888 = arith.constant 1 : i32
      %add3A_889 = arith.addi %select_n3A_887, %add3A_888 : i32
      %mul3A_890 = arith.constant 16 : i32
      %mul3A_891 = arith.muli %add3A_889, %mul3A_890 : i32
      %add3A_892 = vector.broadcast %mul3A_891 : i32 to vector<16xi32>
      %add3A_893 = arith.addi %add3A_892, %iota3A : vector<16xi32>
      %rem3A_894 = arith.constant 26 : i32
      %rem3A_895 = vector.broadcast %rem3A_894 : i32 to vector<16xi32>
      %rem3A_896 = arith.remsi %add3A_893, %rem3A_895 : vector<16xi32>
      %get3A_897 = arith.index_cast %mul3A_861 : i32 to index
      %get3A_898 = tpu.vector_load %arg6[%get3A_897] {strides = array<i32>} : memref<13312xi32, #tpu.memory_space<vmem>>, vector<16xi32>,
      %mul3A_899 = arith.constant 100000 : i32
      %mul3A_900 = vector.broadcast %mul3A_899 : i32 to vector<16xi32>
      %mul3A_901 = arith.muli %rem3A_896, %mul3A_900 : vector<16xi32>
      %add3A_902 = arith.addi %get3A_898, %mul3A_901 : vector<16xi32>
      %swap3A_903 = arith.index_cast %mul3A_861 : i32 to index
      %swap3A_904 = tpu.vector_load %arg6[%swap3A_903] {strides = array<i32>} : memref<13312xi32, #tpu.memory_space<vmem>>, vector<16xi32>,
      tpu.vector_store %arg6[%swap3A_903], %add3A_902 {strides = array<i32>} : memref<13312xi32, #tpu.memory_space<vmem>>, vector<16xi32>,
      %mul3A_905 = arith.constant 128 : i32
      %mul3A_906 = arith.muli %add3A_765, %mul3A_905 : i32
      %jit3A_907 = arith.constant 16 : i32
      %div3A_908 = arith.divsi %mul3A_906, %jit3A_907 : i32
      %sign3A_909 = arith.constant 0 : i32
      %sign3A_910 = arith.cmpi sgt, %mul3A_906, %sign3A_909 : i32
      %sign3A_911 = arith.extui %sign3A_910 : i1 to i32
      %sign3A_912 = arith.constant 0 : i32
      %sign3A_913 = arith.cmpi slt, %mul3A_906, %sign3A_912 : i32
      %sign3A_914 = arith.extui %sign3A_913 : i1 to i32
      %sign3A_915 = arith.subi %sign3A_911, %sign3A_914 : i32
      %sign3A_916 = arith.constant 0 : i32
      %sign3A_917 = arith.cmpi sgt, %jit3A_907, %sign3A_916 : i32
      %sign3A_918 = arith.extui %sign3A_917 : i1 to i32
      %sign3A_919 = arith.constant 0 : i32
      %sign3A_920 = arith.cmpi slt, %jit3A_907, %sign3A_919 : i32
      %sign3A_921 = arith.extui %sign3A_920 : i1 to i32
      %sign3A_922 = arith.subi %sign3A_918, %sign3A_921 : i32
      %ne3A_923 = arith.cmpi ne, %sign3A_915, %sign3A_922 : i32
      %rem3A_924 = arith.remsi %mul3A_906, %jit3A_907 : i32
      %ne3A_925 = arith.constant 0 : i32
      %ne3A_926 = arith.cmpi ne, %rem3A_924, %ne3A_925 : i32
      %and3A_927 = arith.andi %ne3A_923, %ne3A_926 : i1
      %sub3A_928 = arith.constant 1 : i32
      %sub3A_929 = arith.subi %div3A_908, %sub3A_928 : i32
      %select_n3A_930 = arith.select %and3A_927, %sub3A_929, %div3A_908 : i32
      %add3A_931 = arith.constant 2 : i32
      %add3A_932 = arith.addi %select_n3A_930, %add3A_931 : i32
      %mul3A_933 = arith.constant 16 : i32
      %mul3A_934 = arith.muli %add3A_932, %mul3A_933 : i32
      %mul3A_935 = arith.constant 128 : i32
      %mul3A_936 = arith.muli %add3A_765, %mul3A_935 : i32
      %jit3A_937 = arith.constant 16 : i32
      %div3A_938 = arith.divsi %mul3A_936, %jit3A_937 : i32
      %sign3A_939 = arith.constant 0 : i32
      %sign3A_940 = arith.cmpi sgt, %mul3A_936, %sign3A_939 : i32
      %sign3A_941 = arith.extui %sign3A_940 : i1 to i32
      %sign3A_942 = arith.constant 0 : i32
      %sign3A_943 = arith.cmpi slt, %mul3A_936, %sign3A_942 : i32
      %sign3A_944 = arith.extui %sign3A_943 : i1 to i32
      %sign3A_945 = arith.subi %sign3A_941, %sign3A_944 : i32
      %sign3A_946 = arith.constant 0 : i32
      %sign3A_947 = arith.cmpi sgt, %jit3A_937, %sign3A_946 : i32
      %sign3A_948 = arith.extui %sign3A_947 : i1 to i32
      %sign3A_949 = arith.constant 0 : i32
      %sign3A_950 = arith.cmpi slt, %jit3A_937, %sign3A_949 : i32
      %sign3A_951 = arith.extui %sign3A_950 : i1 to i32
      %sign3A_952 = arith.subi %sign3A_948, %sign3A_951 : i32
      %ne3A_953 = arith.cmpi ne, %sign3A_945, %sign3A_952 : i32
      %rem3A_954 = arith.remsi %mul3A_936, %jit3A_937 : i32
      %ne3A_955 = arith.constant 0 : i32
      %ne3A_956 = arith.cmpi ne, %rem3A_954, %ne3A_955 : i32
      %and3A_957 = arith.andi %ne3A_953, %ne3A_956 : i1
      %sub3A_958 = arith.constant 1 : i32
      %sub3A_959 = arith.subi %div3A_938, %sub3A_958 : i32
      %select_n3A_960 = arith.select %and3A_957, %sub3A_959, %div3A_938 : i32
      %add3A_961 = arith.constant 2 : i32
      %add3A_962 = arith.addi %select_n3A_960, %add3A_961 : i32
      %mul3A_963 = arith.constant 16 : i32
      %mul3A_964 = arith.muli %add3A_962, %mul3A_963 : i32
      %add3A_965 = vector.broadcast %mul3A_964 : i32 to vector<16xi32>
      %add3A_966 = arith.addi %add3A_965, %iota3A : vector<16xi32>
      %rem3A_967 = arith.constant 26 : i32
      %rem3A_968 = vector.broadcast %rem3A_967 : i32 to vector<16xi32>
      %rem3A_969 = arith.remsi %add3A_966, %rem3A_968 : vector<16xi32>
      %get3A_970 = arith.index_cast %mul3A_934 : i32 to index
      %get3A_971 = tpu.vector_load %arg6[%get3A_970] {strides = array<i32>} : memref<13312xi32, #tpu.memory_space<vmem>>, vector<16xi32>,
      %mul3A_972 = arith.constant 100000 : i32
      %mul3A_973 = vector.broadcast %mul3A_972 : i32 to vector<16xi32>
      %mul3A_974 = arith.muli %rem3A_969, %mul3A_973 : vector<16xi32>
      %add3A_975 = arith.addi %get3A_971, %mul3A_974 : vector<16xi32>
      %swap3A_976 = arith.index_cast %mul3A_934 : i32 to index
      %swap3A_977 = tpu.vector_load %arg6[%swap3A_976] {strides = array<i32>} : memref<13312xi32, #tpu.memory_space<vmem>>, vector<16xi32>,
      tpu.vector_store %arg6[%swap3A_976], %add3A_975 {strides = array<i32>} : memref<13312xi32, #tpu.memory_space<vmem>>, vector<16xi32>,
      %mul3A_978 = arith.constant 128 : i32
      %mul3A_979 = arith.muli %add3A_765, %mul3A_978 : i32
      %jit3A_980 = arith.constant 16 : i32
      %div3A_981 = arith.divsi %mul3A_979, %jit3A_980 : i32
      %sign3A_982 = arith.constant 0 : i32
      %sign3A_983 = arith.cmpi sgt, %mul3A_979, %sign3A_982 : i32
      %sign3A_984 = arith.extui %sign3A_983 : i1 to i32
      %sign3A_985 = arith.constant 0 : i32
      %sign3A_986 = arith.cmpi slt, %mul3A_979, %sign3A_985 : i32
      %sign3A_987 = arith.extui %sign3A_986 : i1 to i32
      %sign3A_988 = arith.subi %sign3A_984, %sign3A_987 : i32
      %sign3A_989 = arith.constant 0 : i32
      %sign3A_990 = arith.cmpi sgt, %jit3A_980, %sign3A_989 : i32
      %sign3A_991 = arith.extui %sign3A_990 : i1 to i32
      %sign3A_992 = arith.constant 0 : i32
      %sign3A_993 = arith.cmpi slt, %jit3A_980, %sign3A_992 : i32
      %sign3A_994 = arith.extui %sign3A_993 : i1 to i32
      %sign3A_995 = arith.subi %sign3A_991, %sign3A_994 : i32
      %ne3A_996 = arith.cmpi ne, %sign3A_988, %sign3A_995 : i32
      %rem3A_997 = arith.remsi %mul3A_979, %jit3A_980 : i32
      %ne3A_998 = arith.constant 0 : i32
      %ne3A_999 = arith.cmpi ne, %rem3A_997, %ne3A_998 : i32
      %and3A_1000 = arith.andi %ne3A_996, %ne3A_999 : i1
      %sub3A_1001 = arith.constant 1 : i32
      %sub3A_1002 = arith.subi %div3A_981, %sub3A_1001 : i32
      %select_n3A_1003 = arith.select %and3A_1000, %sub3A_1002, %div3A_981 : i32
      %add3A_1004 = arith.constant 3 : i32
      %add3A_1005 = arith.addi %select_n3A_1003, %add3A_1004 : i32
      %mul3A_1006 = arith.constant 16 : i32
      %mul3A_1007 = arith.muli %add3A_1005, %mul3A_1006 : i32
      %mul3A_1008 = arith.constant 128 : i32
      %mul3A_1009 = arith.muli %add3A_765, %mul3A_1008 : i32
      %jit3A_1010 = arith.constant 16 : i32
      %div3A_1011 = arith.divsi %mul3A_1009, %jit3A_1010 : i32
      %sign3A_1012 = arith.constant 0 : i32
      %sign3A_1013 = arith.cmpi sgt, %mul3A_1009, %sign3A_1012 : i32
      %sign3A_1014 = arith.extui %sign3A_1013 : i1 to i32
      %sign3A_1015 = arith.constant 0 : i32
      %sign3A_1016 = arith.cmpi slt, %mul3A_1009, %sign3A_1015 : i32
      %sign3A_1017 = arith.extui %sign3A_1016 : i1 to i32
      %sign3A_1018 = arith.subi %sign3A_1014, %sign3A_1017 : i32
      %sign3A_1019 = arith.constant 0 : i32
      %sign3A_1020 = arith.cmpi sgt, %jit3A_1010, %sign3A_1019 : i32
      %sign3A_1021 = arith.extui %sign3A_1020 : i1 to i32
      %sign3A_1022 = arith.constant 0 : i32
      %sign3A_1023 = arith.cmpi slt, %jit3A_1010, %sign3A_1022 : i32
      %sign3A_1024 = arith.extui %sign3A_1023 : i1 to i32
      %sign3A_1025 = arith.subi %sign3A_1021, %sign3A_1024 : i32
      %ne3A_1026 = arith.cmpi ne, %sign3A_1018, %sign3A_1025 : i32
      %rem3A_1027 = arith.remsi %mul3A_1009, %jit3A_1010 : i32
      %ne3A_1028 = arith.constant 0 : i32
      %ne3A_1029 = arith.cmpi ne, %rem3A_1027, %ne3A_1028 : i32
      %and3A_1030 = arith.andi %ne3A_1026, %ne3A_1029 : i1
      %sub3A_1031 = arith.constant 1 : i32
      %sub3A_1032 = arith.subi %div3A_1011, %sub3A_1031 : i32
      %select_n3A_1033 = arith.select %and3A_1030, %sub3A_1032, %div3A_1011 : i32
      %add3A_1034 = arith.constant 3 : i32
      %add3A_1035 = arith.addi %select_n3A_1033, %add3A_1034 : i32
      %mul3A_1036 = arith.constant 16 : i32
      %mul3A_1037 = arith.muli %add3A_1035, %mul3A_1036 : i32
      %add3A_1038 = vector.broadcast %mul3A_1037 : i32 to vector<16xi32>
      %add3A_1039 = arith.addi %add3A_1038, %iota3A : vector<16xi32>
      %rem3A_1040 = arith.constant 26 : i32
      %rem3A_1041 = vector.broadcast %rem3A_1040 : i32 to vector<16xi32>
      %rem3A_1042 = arith.remsi %add3A_1039, %rem3A_1041 : vector<16xi32>
      %get3A_1043 = arith.index_cast %mul3A_1007 : i32 to index
      %get3A_1044 = tpu.vector_load %arg6[%get3A_1043] {strides = array<i32>} : memref<13312xi32, #tpu.memory_space<vmem>>, vector<16xi32>,
      %mul3A_1045 = arith.constant 100000 : i32
      %mul3A_1046 = vector.broadcast %mul3A_1045 : i32 to vector<16xi32>
      %mul3A_1047 = arith.muli %rem3A_1042, %mul3A_1046 : vector<16xi32>
      %add3A_1048 = arith.addi %get3A_1044, %mul3A_1047 : vector<16xi32>
      %swap3A_1049 = arith.index_cast %mul3A_1007 : i32 to index
      %swap3A_1050 = tpu.vector_load %arg6[%swap3A_1049] {strides = array<i32>} : memref<13312xi32, #tpu.memory_space<vmem>>, vector<16xi32>,
      tpu.vector_store %arg6[%swap3A_1049], %add3A_1048 {strides = array<i32>} : memref<13312xi32, #tpu.memory_space<vmem>>, vector<16xi32>,
      %mul3A_1051 = arith.constant 128 : i32
      %mul3A_1052 = arith.muli %add3A_765, %mul3A_1051 : i32
      %jit3A_1053 = arith.constant 16 : i32
      %div3A_1054 = arith.divsi %mul3A_1052, %jit3A_1053 : i32
      %sign3A_1055 = arith.constant 0 : i32
      %sign3A_1056 = arith.cmpi sgt, %mul3A_1052, %sign3A_1055 : i32
      %sign3A_1057 = arith.extui %sign3A_1056 : i1 to i32
      %sign3A_1058 = arith.constant 0 : i32
      %sign3A_1059 = arith.cmpi slt, %mul3A_1052, %sign3A_1058 : i32
      %sign3A_1060 = arith.extui %sign3A_1059 : i1 to i32
      %sign3A_1061 = arith.subi %sign3A_1057, %sign3A_1060 : i32
      %sign3A_1062 = arith.constant 0 : i32
      %sign3A_1063 = arith.cmpi sgt, %jit3A_1053, %sign3A_1062 : i32
      %sign3A_1064 = arith.extui %sign3A_1063 : i1 to i32
      %sign3A_1065 = arith.constant 0 : i32
      %sign3A_1066 = arith.cmpi slt, %jit3A_1053, %sign3A_1065 : i32
      %sign3A_1067 = arith.extui %sign3A_1066 : i1 to i32
      %sign3A_1068 = arith.subi %sign3A_1064, %sign3A_1067 : i32
      %ne3A_1069 = arith.cmpi ne, %sign3A_1061, %sign3A_1068 : i32
      %rem3A_1070 = arith.remsi %mul3A_1052, %jit3A_1053 : i32
      %ne3A_1071 = arith.constant 0 : i32
      %ne3A_1072 = arith.cmpi ne, %rem3A_1070, %ne3A_1071 : i32
      %and3A_1073 = arith.andi %ne3A_1069, %ne3A_1072 : i1
      %sub3A_1074 = arith.constant 1 : i32
      %sub3A_1075 = arith.subi %div3A_1054, %sub3A_1074 : i32
      %select_n3A_1076 = arith.select %and3A_1073, %sub3A_1075, %div3A_1054 : i32
      %add3A_1077 = arith.constant 4 : i32
      %add3A_1078 = arith.addi %select_n3A_1076, %add3A_1077 : i32
      %mul3A_1079 = arith.constant 16 : i32
      %mul3A_1080 = arith.muli %add3A_1078, %mul3A_1079 : i32
      %mul3A_1081 = arith.constant 128 : i32
      %mul3A_1082 = arith.muli %add3A_765, %mul3A_1081 : i32
      %jit3A_1083 = arith.constant 16 : i32
      %div3A_1084 = arith.divsi %mul3A_1082, %jit3A_1083 : i32
      %sign3A_1085 = arith.constant 0 : i32
      %sign3A_1086 = arith.cmpi sgt, %mul3A_1082, %sign3A_1085 : i32
      %sign3A_1087 = arith.extui %sign3A_1086 : i1 to i32
      %sign3A_1088 = arith.constant 0 : i32
      %sign3A_1089 = arith.cmpi slt, %mul3A_1082, %sign3A_1088 : i32
      %sign3A_1090 = arith.extui %sign3A_1089 : i1 to i32
      %sign3A_1091 = arith.subi %sign3A_1087, %sign3A_1090 : i32
      %sign3A_1092 = arith.constant 0 : i32
      %sign3A_1093 = arith.cmpi sgt, %jit3A_1083, %sign3A_1092 : i32
      %sign3A_1094 = arith.extui %sign3A_1093 : i1 to i32
      %sign3A_1095 = arith.constant 0 : i32
      %sign3A_1096 = arith.cmpi slt, %jit3A_1083, %sign3A_1095 : i32
      %sign3A_1097 = arith.extui %sign3A_1096 : i1 to i32
      %sign3A_1098 = arith.subi %sign3A_1094, %sign3A_1097 : i32
      %ne3A_1099 = arith.cmpi ne, %sign3A_1091, %sign3A_1098 : i32
      %rem3A_1100 = arith.remsi %mul3A_1082, %jit3A_1083 : i32
      %ne3A_1101 = arith.constant 0 : i32
      %ne3A_1102 = arith.cmpi ne, %rem3A_1100, %ne3A_1101 : i32
      %and3A_1103 = arith.andi %ne3A_1099, %ne3A_1102 : i1
      %sub3A_1104 = arith.constant 1 : i32
      %sub3A_1105 = arith.subi %div3A_1084, %sub3A_1104 : i32
      %select_n3A_1106 = arith.select %and3A_1103, %sub3A_1105, %div3A_1084 : i32
      %add3A_1107 = arith.constant 4 : i32
      %add3A_1108 = arith.addi %select_n3A_1106, %add3A_1107 : i32
      %mul3A_1109 = arith.constant 16 : i32
      %mul3A_1110 = arith.muli %add3A_1108, %mul3A_1109 : i32
      %add3A_1111 = vector.broadcast %mul3A_1110 : i32 to vector<16xi32>
      %add3A_1112 = arith.addi %add3A_1111, %iota3A : vector<16xi32>
      %rem3A_1113 = arith.constant 26 : i32
      %rem3A_1114 = vector.broadcast %rem3A_1113 : i32 to vector<16xi32>
      %rem3A_1115 = arith.remsi %add3A_1112, %rem3A_1114 : vector<16xi32>
      %get3A_1116 = arith.index_cast %mul3A_1080 : i32 to index
      %get3A_1117 = tpu.vector_load %arg6[%get3A_1116] {strides = array<i32>} : memref<13312xi32, #tpu.memory_space<vmem>>, vector<16xi32>,
      %mul3A_1118 = arith.constant 100000 : i32
      %mul3A_1119 = vector.broadcast %mul3A_1118 : i32 to vector<16xi32>
      %mul3A_1120 = arith.muli %rem3A_1115, %mul3A_1119 : vector<16xi32>
      %add3A_1121 = arith.addi %get3A_1117, %mul3A_1120 : vector<16xi32>
      %swap3A_1122 = arith.index_cast %mul3A_1080 : i32 to index
      %swap3A_1123 = tpu.vector_load %arg6[%swap3A_1122] {strides = array<i32>} : memref<13312xi32, #tpu.memory_space<vmem>>, vector<16xi32>,
      tpu.vector_store %arg6[%swap3A_1122], %add3A_1121 {strides = array<i32>} : memref<13312xi32, #tpu.memory_space<vmem>>, vector<16xi32>,
      %mul3A_1124 = arith.constant 128 : i32
      %mul3A_1125 = arith.muli %add3A_765, %mul3A_1124 : i32
      %jit3A_1126 = arith.constant 16 : i32
      %div3A_1127 = arith.divsi %mul3A_1125, %jit3A_1126 : i32
      %sign3A_1128 = arith.constant 0 : i32
      %sign3A_1129 = arith.cmpi sgt, %mul3A_1125, %sign3A_1128 : i32
      %sign3A_1130 = arith.extui %sign3A_1129 : i1 to i32
      %sign3A_1131 = arith.constant 0 : i32
      %sign3A_1132 = arith.cmpi slt, %mul3A_1125, %sign3A_1131 : i32
      %sign3A_1133 = arith.extui %sign3A_1132 : i1 to i32
      %sign3A_1134 = arith.subi %sign3A_1130, %sign3A_1133 : i32
      %sign3A_1135 = arith.constant 0 : i32
      %sign3A_1136 = arith.cmpi sgt, %jit3A_1126, %sign3A_1135 : i32
      %sign3A_1137 = arith.extui %sign3A_1136 : i1 to i32
      %sign3A_1138 = arith.constant 0 : i32
      %sign3A_1139 = arith.cmpi slt, %jit3A_1126, %sign3A_1138 : i32
      %sign3A_1140 = arith.extui %sign3A_1139 : i1 to i32
      %sign3A_1141 = arith.subi %sign3A_1137, %sign3A_1140 : i32
      %ne3A_1142 = arith.cmpi ne, %sign3A_1134, %sign3A_1141 : i32
      %rem3A_1143 = arith.remsi %mul3A_1125, %jit3A_1126 : i32
      %ne3A_1144 = arith.constant 0 : i32
      %ne3A_1145 = arith.cmpi ne, %rem3A_1143, %ne3A_1144 : i32
      %and3A_1146 = arith.andi %ne3A_1142, %ne3A_1145 : i1
      %sub3A_1147 = arith.constant 1 : i32
      %sub3A_1148 = arith.subi %div3A_1127, %sub3A_1147 : i32
      %select_n3A_1149 = arith.select %and3A_1146, %sub3A_1148, %div3A_1127 : i32
      %add3A_1150 = arith.constant 5 : i32
      %add3A_1151 = arith.addi %select_n3A_1149, %add3A_1150 : i32
      %mul3A_1152 = arith.constant 16 : i32
      %mul3A_1153 = arith.muli %add3A_1151, %mul3A_1152 : i32
      %mul3A_1154 = arith.constant 128 : i32
      %mul3A_1155 = arith.muli %add3A_765, %mul3A_1154 : i32
      %jit3A_1156 = arith.constant 16 : i32
      %div3A_1157 = arith.divsi %mul3A_1155, %jit3A_1156 : i32
      %sign3A_1158 = arith.constant 0 : i32
      %sign3A_1159 = arith.cmpi sgt, %mul3A_1155, %sign3A_1158 : i32
      %sign3A_1160 = arith.extui %sign3A_1159 : i1 to i32
      %sign3A_1161 = arith.constant 0 : i32
      %sign3A_1162 = arith.cmpi slt, %mul3A_1155, %sign3A_1161 : i32
      %sign3A_1163 = arith.extui %sign3A_1162 : i1 to i32
      %sign3A_1164 = arith.subi %sign3A_1160, %sign3A_1163 : i32
      %sign3A_1165 = arith.constant 0 : i32
      %sign3A_1166 = arith.cmpi sgt, %jit3A_1156, %sign3A_1165 : i32
      %sign3A_1167 = arith.extui %sign3A_1166 : i1 to i32
      %sign3A_1168 = arith.constant 0 : i32
      %sign3A_1169 = arith.cmpi slt, %jit3A_1156, %sign3A_1168 : i32
      %sign3A_1170 = arith.extui %sign3A_1169 : i1 to i32
      %sign3A_1171 = arith.subi %sign3A_1167, %sign3A_1170 : i32
      %ne3A_1172 = arith.cmpi ne, %sign3A_1164, %sign3A_1171 : i32
      %rem3A_1173 = arith.remsi %mul3A_1155, %jit3A_1156 : i32
      %ne3A_1174 = arith.constant 0 : i32
      %ne3A_1175 = arith.cmpi ne, %rem3A_1173, %ne3A_1174 : i32
      %and3A_1176 = arith.andi %ne3A_1172, %ne3A_1175 : i1
      %sub3A_1177 = arith.constant 1 : i32
      %sub3A_1178 = arith.subi %div3A_1157, %sub3A_1177 : i32
      %select_n3A_1179 = arith.select %and3A_1176, %sub3A_1178, %div3A_1157 : i32
      %add3A_1180 = arith.constant 5 : i32
      %add3A_1181 = arith.addi %select_n3A_1179, %add3A_1180 : i32
      %mul3A_1182 = arith.constant 16 : i32
      %mul3A_1183 = arith.muli %add3A_1181, %mul3A_1182 : i32
      %add3A_1184 = vector.broadcast %mul3A_1183 : i32 to vector<16xi32>
      %add3A_1185 = arith.addi %add3A_1184, %iota3A : vector<16xi32>
      %rem3A_1186 = arith.constant 26 : i32
      %rem3A_1187 = vector.broadcast %rem3A_1186 : i32 to vector<16xi32>
      %rem3A_1188 = arith.remsi %add3A_1185, %rem3A_1187 : vector<16xi32>
      %get3A_1189 = arith.index_cast %mul3A_1153 : i32 to index
      %get3A_1190 = tpu.vector_load %arg6[%get3A_1189] {strides = array<i32>} : memref<13312xi32, #tpu.memory_space<vmem>>, vector<16xi32>,
      %mul3A_1191 = arith.constant 100000 : i32
      %mul3A_1192 = vector.broadcast %mul3A_1191 : i32 to vector<16xi32>
      %mul3A_1193 = arith.muli %rem3A_1188, %mul3A_1192 : vector<16xi32>
      %add3A_1194 = arith.addi %get3A_1190, %mul3A_1193 : vector<16xi32>
      %swap3A_1195 = arith.index_cast %mul3A_1153 : i32 to index
      %swap3A_1196 = tpu.vector_load %arg6[%swap3A_1195] {strides = array<i32>} : memref<13312xi32, #tpu.memory_space<vmem>>, vector<16xi32>,
      tpu.vector_store %arg6[%swap3A_1195], %add3A_1194 {strides = array<i32>} : memref<13312xi32, #tpu.memory_space<vmem>>, vector<16xi32>,
      %mul3A_1197 = arith.constant 128 : i32
      %mul3A_1198 = arith.muli %add3A_765, %mul3A_1197 : i32
      %jit3A_1199 = arith.constant 16 : i32
      %div3A_1200 = arith.divsi %mul3A_1198, %jit3A_1199 : i32
      %sign3A_1201 = arith.constant 0 : i32
      %sign3A_1202 = arith.cmpi sgt, %mul3A_1198, %sign3A_1201 : i32
      %sign3A_1203 = arith.extui %sign3A_1202 : i1 to i32
      %sign3A_1204 = arith.constant 0 : i32
      %sign3A_1205 = arith.cmpi slt, %mul3A_1198, %sign3A_1204 : i32
      %sign3A_1206 = arith.extui %sign3A_1205 : i1 to i32
      %sign3A_1207 = arith.subi %sign3A_1203, %sign3A_1206 : i32
      %sign3A_1208 = arith.constant 0 : i32
      %sign3A_1209 = arith.cmpi sgt, %jit3A_1199, %sign3A_1208 : i32
      %sign3A_1210 = arith.extui %sign3A_1209 : i1 to i32
      %sign3A_1211 = arith.constant 0 : i32
      %sign3A_1212 = arith.cmpi slt, %jit3A_1199, %sign3A_1211 : i32
      %sign3A_1213 = arith.extui %sign3A_1212 : i1 to i32
      %sign3A_1214 = arith.subi %sign3A_1210, %sign3A_1213 : i32
      %ne3A_1215 = arith.cmpi ne, %sign3A_1207, %sign3A_1214 : i32
      %rem3A_1216 = arith.remsi %mul3A_1198, %jit3A_1199 : i32
      %ne3A_1217 = arith.constant 0 : i32
      %ne3A_1218 = arith.cmpi ne, %rem3A_1216, %ne3A_1217 : i32
      %and3A_1219 = arith.andi %ne3A_1215, %ne3A_1218 : i1
      %sub3A_1220 = arith.constant 1 : i32
      %sub3A_1221 = arith.subi %div3A_1200, %sub3A_1220 : i32
      %select_n3A_1222 = arith.select %and3A_1219, %sub3A_1221, %div3A_1200 : i32
      %add3A_1223 = arith.constant 6 : i32
      %add3A_1224 = arith.addi %select_n3A_1222, %add3A_1223 : i32
      %mul3A_1225 = arith.constant 16 : i32
      %mul3A_1226 = arith.muli %add3A_1224, %mul3A_1225 : i32
      %mul3A_1227 = arith.constant 128 : i32
      %mul3A_1228 = arith.muli %add3A_765, %mul3A_1227 : i32
      %jit3A_1229 = arith.constant 16 : i32
      %div3A_1230 = arith.divsi %mul3A_1228, %jit3A_1229 : i32
      %sign3A_1231 = arith.constant 0 : i32
      %sign3A_1232 = arith.cmpi sgt, %mul3A_1228, %sign3A_1231 : i32
      %sign3A_1233 = arith.extui %sign3A_1232 : i1 to i32
      %sign3A_1234 = arith.constant 0 : i32
      %sign3A_1235 = arith.cmpi slt, %mul3A_1228, %sign3A_1234 : i32
      %sign3A_1236 = arith.extui %sign3A_1235 : i1 to i32
      %sign3A_1237 = arith.subi %sign3A_1233, %sign3A_1236 : i32
      %sign3A_1238 = arith.constant 0 : i32
      %sign3A_1239 = arith.cmpi sgt, %jit3A_1229, %sign3A_1238 : i32
      %sign3A_1240 = arith.extui %sign3A_1239 : i1 to i32
      %sign3A_1241 = arith.constant 0 : i32
      %sign3A_1242 = arith.cmpi slt, %jit3A_1229, %sign3A_1241 : i32
      %sign3A_1243 = arith.extui %sign3A_1242 : i1 to i32
      %sign3A_1244 = arith.subi %sign3A_1240, %sign3A_1243 : i32
      %ne3A_1245 = arith.cmpi ne, %sign3A_1237, %sign3A_1244 : i32
      %rem3A_1246 = arith.remsi %mul3A_1228, %jit3A_1229 : i32
      %ne3A_1247 = arith.constant 0 : i32
      %ne3A_1248 = arith.cmpi ne, %rem3A_1246, %ne3A_1247 : i32
      %and3A_1249 = arith.andi %ne3A_1245, %ne3A_1248 : i1
      %sub3A_1250 = arith.constant 1 : i32
      %sub3A_1251 = arith.subi %div3A_1230, %sub3A_1250 : i32
      %select_n3A_1252 = arith.select %and3A_1249, %sub3A_1251, %div3A_1230 : i32
      %add3A_1253 = arith.constant 6 : i32
      %add3A_1254 = arith.addi %select_n3A_1252, %add3A_1253 : i32
      %mul3A_1255 = arith.constant 16 : i32
      %mul3A_1256 = arith.muli %add3A_1254, %mul3A_1255 : i32
      %add3A_1257 = vector.broadcast %mul3A_1256 : i32 to vector<16xi32>
      %add3A_1258 = arith.addi %add3A_1257, %iota3A : vector<16xi32>
      %rem3A_1259 = arith.constant 26 : i32
      %rem3A_1260 = vector.broadcast %rem3A_1259 : i32 to vector<16xi32>
      %rem3A_1261 = arith.remsi %add3A_1258, %rem3A_1260 : vector<16xi32>
      %get3A_1262 = arith.index_cast %mul3A_1226 : i32 to index
      %get3A_1263 = tpu.vector_load %arg6[%get3A_1262] {strides = array<i32>} : memref<13312xi32, #tpu.memory_space<vmem>>, vector<16xi32>,
      %mul3A_1264 = arith.constant 100000 : i32
      %mul3A_1265 = vector.broadcast %mul3A_1264 : i32 to vector<16xi32>
      %mul3A_1266 = arith.muli %rem3A_1261, %mul3A_1265 : vector<16xi32>
      %add3A_1267 = arith.addi %get3A_1263, %mul3A_1266 : vector<16xi32>
      %swap3A_1268 = arith.index_cast %mul3A_1226 : i32 to index
      %swap3A_1269 = tpu.vector_load %arg6[%swap3A_1268] {strides = array<i32>} : memref<13312xi32, #tpu.memory_space<vmem>>, vector<16xi32>,
      tpu.vector_store %arg6[%swap3A_1268], %add3A_1267 {strides = array<i32>} : memref<13312xi32, #tpu.memory_space<vmem>>, vector<16xi32>,
      %mul3A_1270 = arith.constant 128 : i32
      %mul3A_1271 = arith.muli %add3A_765, %mul3A_1270 : i32
      %jit3A_1272 = arith.constant 16 : i32
      %div3A_1273 = arith.divsi %mul3A_1271, %jit3A_1272 : i32
      %sign3A_1274 = arith.constant 0 : i32
      %sign3A_1275 = arith.cmpi sgt, %mul3A_1271, %sign3A_1274 : i32
      %sign3A_1276 = arith.extui %sign3A_1275 : i1 to i32
      %sign3A_1277 = arith.constant 0 : i32
      %sign3A_1278 = arith.cmpi slt, %mul3A_1271, %sign3A_1277 : i32
      %sign3A_1279 = arith.extui %sign3A_1278 : i1 to i32
      %sign3A_1280 = arith.subi %sign3A_1276, %sign3A_1279 : i32
      %sign3A_1281 = arith.constant 0 : i32
      %sign3A_1282 = arith.cmpi sgt, %jit3A_1272, %sign3A_1281 : i32
      %sign3A_1283 = arith.extui %sign3A_1282 : i1 to i32
      %sign3A_1284 = arith.constant 0 : i32
      %sign3A_1285 = arith.cmpi slt, %jit3A_1272, %sign3A_1284 : i32
      %sign3A_1286 = arith.extui %sign3A_1285 : i1 to i32
      %sign3A_1287 = arith.subi %sign3A_1283, %sign3A_1286 : i32
      %ne3A_1288 = arith.cmpi ne, %sign3A_1280, %sign3A_1287 : i32
      %rem3A_1289 = arith.remsi %mul3A_1271, %jit3A_1272 : i32
      %ne3A_1290 = arith.constant 0 : i32
      %ne3A_1291 = arith.cmpi ne, %rem3A_1289, %ne3A_1290 : i32
      %and3A_1292 = arith.andi %ne3A_1288, %ne3A_1291 : i1
      %sub3A_1293 = arith.constant 1 : i32
      %sub3A_1294 = arith.subi %div3A_1273, %sub3A_1293 : i32
      %select_n3A_1295 = arith.select %and3A_1292, %sub3A_1294, %div3A_1273 : i32
      %add3A_1296 = arith.constant 7 : i32
      %add3A_1297 = arith.addi %select_n3A_1295, %add3A_1296 : i32
      %mul3A_1298 = arith.constant 16 : i32
      %mul3A_1299 = arith.muli %add3A_1297, %mul3A_1298 : i32
      %mul3A_1300 = arith.constant 128 : i32
      %mul3A_1301 = arith.muli %add3A_765, %mul3A_1300 : i32
      %jit3A_1302 = arith.constant 16 : i32
      %div3A_1303 = arith.divsi %mul3A_1301, %jit3A_1302 : i32
      %sign3A_1304 = arith.constant 0 : i32
      %sign3A_1305 = arith.cmpi sgt, %mul3A_1301, %sign3A_1304 : i32
      %sign3A_1306 = arith.extui %sign3A_1305 : i1 to i32
      %sign3A_1307 = arith.constant 0 : i32
      %sign3A_1308 = arith.cmpi slt, %mul3A_1301, %sign3A_1307 : i32
      %sign3A_1309 = arith.extui %sign3A_1308 : i1 to i32
      %sign3A_1310 = arith.subi %sign3A_1306, %sign3A_1309 : i32
      %sign3A_1311 = arith.constant 0 : i32
      %sign3A_1312 = arith.cmpi sgt, %jit3A_1302, %sign3A_1311 : i32
      %sign3A_1313 = arith.extui %sign3A_1312 : i1 to i32
      %sign3A_1314 = arith.constant 0 : i32
      %sign3A_1315 = arith.cmpi slt, %jit3A_1302, %sign3A_1314 : i32
      %sign3A_1316 = arith.extui %sign3A_1315 : i1 to i32
      %sign3A_1317 = arith.subi %sign3A_1313, %sign3A_1316 : i32
      %ne3A_1318 = arith.cmpi ne, %sign3A_1310, %sign3A_1317 : i32
      %rem3A_1319 = arith.remsi %mul3A_1301, %jit3A_1302 : i32
      %ne3A_1320 = arith.constant 0 : i32
      %ne3A_1321 = arith.cmpi ne, %rem3A_1319, %ne3A_1320 : i32
      %and3A_1322 = arith.andi %ne3A_1318, %ne3A_1321 : i1
      %sub3A_1323 = arith.constant 1 : i32
      %sub3A_1324 = arith.subi %div3A_1303, %sub3A_1323 : i32
      %select_n3A_1325 = arith.select %and3A_1322, %sub3A_1324, %div3A_1303 : i32
      %add3A_1326 = arith.constant 7 : i32
      %add3A_1327 = arith.addi %select_n3A_1325, %add3A_1326 : i32
      %mul3A_1328 = arith.constant 16 : i32
      %mul3A_1329 = arith.muli %add3A_1327, %mul3A_1328 : i32
      %add3A_1330 = vector.broadcast %mul3A_1329 : i32 to vector<16xi32>
      %add3A_1331 = arith.addi %add3A_1330, %iota3A : vector<16xi32>
      %rem3A_1332 = arith.constant 26 : i32
      %rem3A_1333 = vector.broadcast %rem3A_1332 : i32 to vector<16xi32>
      %rem3A_1334 = arith.remsi %add3A_1331, %rem3A_1333 : vector<16xi32>
      %get3A_1335 = arith.index_cast %mul3A_1299 : i32 to index
      %get3A_1336 = tpu.vector_load %arg6[%get3A_1335] {strides = array<i32>} : memref<13312xi32, #tpu.memory_space<vmem>>, vector<16xi32>,
      %mul3A_1337 = arith.constant 100000 : i32
      %mul3A_1338 = vector.broadcast %mul3A_1337 : i32 to vector<16xi32>
      %mul3A_1339 = arith.muli %rem3A_1334, %mul3A_1338 : vector<16xi32>
      %add3A_1340 = arith.addi %get3A_1336, %mul3A_1339 : vector<16xi32>
      %swap3A_1341 = arith.index_cast %mul3A_1299 : i32 to index
      %swap3A_1342 = tpu.vector_load %arg6[%swap3A_1341] {strides = array<i32>} : memref<13312xi32, #tpu.memory_space<vmem>>, vector<16xi32>,
      tpu.vector_store %arg6[%swap3A_1341], %add3A_1340 {strides = array<i32>} : memref<13312xi32, #tpu.memory_space<vmem>>, vector<16xi32>,
      %add3A_1343 = arith.constant 6 : i32
      %add3A_1344 = arith.addi %scan3A_763, %add3A_1343 : i32
      %mul3A_1345 = arith.constant 128 : i32
      %mul3A_1346 = arith.muli %add3A_1344, %mul3A_1345 : i32
      %dma_start3A_1347 = tpu.memref_slice %arg7[%mul3A_1346] : memref<13312xf32, #tpu.memory_space<vmem>> -> memref<128xf32, #tpu.memory_space<vmem>>
      %dma_start3A_1348 = tpu.memref_slice %arg6[%mul3A_1346] : memref<13312xi32, #tpu.memory_space<vmem>> -> memref<128xi32, #tpu.memory_space<vmem>>
      %dma_start3A_1349 = arith.constant 0 : i32
      %dma_start3A_1350 = tpu.memref_slice %arg3[%dma_start3A_1349] : memref<2600000xf32, #tpu.memory_space<hbm>> -> memref<2600000xf32, #tpu.memory_space<hbm>>
      tpu.enqueue_indirect_dma source(%dma_start3A_1350 : memref<2600000xf32, #tpu.memory_space<hbm>>) target(%dma_start3A_1347 : memref<128xf32, #tpu.memory_space<vmem>>) offsets(%dma_start3A_1348 : memref<128xi32, #tpu.memory_space<vmem>>) semaphore(%arg10 : memref<!tpu.dma_semaphore, #tpu.memory_space<semaphore_mem>>)
      %mul3A_1351 = arith.constant 128 : i32
      %mul3A_1352 = arith.muli %scan3A_763, %mul3A_1351 : i32
      %dma_wait3A_1353 = tpu.memref_slice %arg7[%mul3A_1352] : memref<13312xf32, #tpu.memory_space<vmem>> -> memref<128xf32, #tpu.memory_space<vmem>>
      %dma_wait3A_1354 = tpu.memref_slice %arg6[%mul3A_1352] : memref<13312xi32, #tpu.memory_space<vmem>> -> memref<128xi32, #tpu.memory_space<vmem>>
      %dma_wait3A_1355 = arith.constant 0 : i32
      %dma_wait3A_1356 = tpu.memref_slice %arg3[%dma_wait3A_1355] : memref<2600000xf32, #tpu.memory_space<hbm>> -> memref<2600000xf32, #tpu.memory_space<hbm>>
      tpu.wait_indirect_dma semaphore(%arg10 : memref<!tpu.dma_semaphore, #tpu.memory_space<semaphore_mem>>) src(%dma_wait3A_1356 : memref<2600000xf32, #tpu.memory_space<hbm>>) dst(%dma_wait3A_1353 : memref<128xf32, #tpu.memory_space<vmem>>)
    }
    %scan3A_710 = arith.constant 98 : i32
    %get3A_711 = arith.constant 0 : index
    %get3A_712 = tpu.vector_load %arg9[%get3A_711] {strides = array<i32>} : memref<16xf32, #tpu.memory_space<vmem>>, vector<16xf32>,
    %mul3A_713 = arith.constant 26 : i32
    %mul3A_714 = vector.broadcast %mul3A_713 : i32 to vector<16xi32>
    %mul3A_715 = arith.muli %iota3A, %mul3A_714 : vector<16xi32>
    %scan3A_716 = arith.constant 0 : i32
    %scan3A_717 = arith.constant 30 : i32
    %scan3A_718 = arith.addi %scan3A_716, %scan3A_717 : i32
    %scan3A_719 = arith.constant 1 : i32
    scf.for %scan3A_763 = %scan3A_716 to %scan3A_718 step %scan3A_719  : i32 {
      %mul3A_764 = arith.constant 416 : i32
      %mul3A_765 = arith.muli %scan3A_763, %mul3A_764 : i32
      %add3A_766 = arith.constant 0 : i32
      %add3A_767 = arith.addi %mul3A_765, %add3A_766 : i32
      %add3A_768 = vector.broadcast %add3A_767 : i32 to vector<16xi32>
      %add3A_769 = arith.addi %mul3A_715, %add3A_768 : vector<16xi32>
      %gather3A = tpu.vector_load_idx %arg7[%add3A_769] : memref<13312xf32, #tpu.memory_space<vmem>>[vector<16xi32>], vector<16xf32>,
      %add3A_770 = arith.addf %get3A_712, %gather3A : vector<16xf32>
      %add3A_771 = arith.constant 1 : i32
      %add3A_772 = arith.addi %mul3A_765, %add3A_771 : i32
      %add3A_773 = vector.broadcast %add3A_772 : i32 to vector<16xi32>
      %add3A_774 = arith.addi %mul3A_715, %add3A_773 : vector<16xi32>
      %gather3A_775 = tpu.vector_load_idx %arg7[%add3A_774] : memref<13312xf32, #tpu.memory_space<vmem>>[vector<16xi32>], vector<16xf32>,
      %add3A_776 = arith.addf %add3A_770, %gather3A_775 : vector<16xf32>
      %add3A_777 = arith.constant 2 : i32
      %add3A_778 = arith.addi %mul3A_765, %add3A_777 : i32
      %add3A_779 = vector.broadcast %add3A_778 : i32 to vector<16xi32>
      %add3A_780 = arith.addi %mul3A_715, %add3A_779 : vector<16xi32>
      %gather3A_781 = tpu.vector_load_idx %arg7[%add3A_780] : memref<13312xf32, #tpu.memory_space<vmem>>[vector<16xi32>], vector<16xf32>,
      %add3A_782 = arith.addf %add3A_776, %gather3A_781 : vector<16xf32>
      %add3A_783 = arith.constant 3 : i32
      %add3A_784 = arith.addi %mul3A_765, %add3A_783 : i32
      %add3A_785 = vector.broadcast %add3A_784 : i32 to vector<16xi32>
      %add3A_786 = arith.addi %mul3A_715, %add3A_785 : vector<16xi32>
      %gather3A_787 = tpu.vector_load_idx %arg7[%add3A_786] : memref<13312xf32, #tpu.memory_space<vmem>>[vector<16xi32>], vector<16xf32>,
      %add3A_788 = arith.addf %add3A_782, %gather3A_787 : vector<16xf32>
      %add3A_789 = arith.constant 4 : i32
      %add3A_790 = arith.addi %mul3A_765, %add3A_789 : i32
      %add3A_791 = vector.broadcast %add3A_790 : i32 to vector<16xi32>
      %add3A_792 = arith.addi %mul3A_715, %add3A_791 : vector<16xi32>
      %gather3A_793 = tpu.vector_load_idx %arg7[%add3A_792] : memref<13312xf32, #tpu.memory_space<vmem>>[vector<16xi32>], vector<16xf32>,
      %add3A_794 = arith.addf %add3A_788, %gather3A_793 : vector<16xf32>
      %add3A_795 = arith.constant 5 : i32
      %add3A_796 = arith.addi %mul3A_765, %add3A_795 : i32
      %add3A_797 = vector.broadcast %add3A_796 : i32 to vector<16xi32>
      %add3A_798 = arith.addi %mul3A_715, %add3A_797 : vector<16xi32>
      %gather3A_799 = tpu.vector_load_idx %arg7[%add3A_798] : memref<13312xf32, #tpu.memory_space<vmem>>[vector<16xi32>], vector<16xf32>,
      %add3A_800 = arith.addf %add3A_794, %gather3A_799 : vector<16xf32>
      %add3A_801 = arith.constant 6 : i32
      %add3A_802 = arith.addi %mul3A_765, %add3A_801 : i32
      %add3A_803 = vector.broadcast %add3A_802 : i32 to vector<16xi32>
      %add3A_804 = arith.addi %mul3A_715, %add3A_803 : vector<16xi32>
      %gather3A_805 = tpu.vector_load_idx %arg7[%add3A_804] : memref<13312xf32, #tpu.memory_space<vmem>>[vector<16xi32>], vector<16xf32>,
      %add3A_806 = arith.addf %add3A_800, %gather3A_805 : vector<16xf32>
      %add3A_807 = arith.constant 7 : i32
      %add3A_808 = arith.addi %mul3A_765, %add3A_807 : i32
      %add3A_809 = vector.broadcast %add3A_808 : i32 to vector<16xi32>
      %add3A_810 = arith.addi %mul3A_715, %add3A_809 : vector<16xi32>
      %gather3A_811 = tpu.vector_load_idx %arg7[%add3A_810] : memref<13312xf32, #tpu.memory_space<vmem>>[vector<16xi32>], vector<16xf32>,
      %add3A_812 = arith.addf %add3A_806, %gather3A_811 : vector<16xf32>
      %add3A_813 = arith.constant 8 : i32
      %add3A_814 = arith.addi %mul3A_765, %add3A_813 : i32
      %add3A_815 = vector.broadcast %add3A_814 : i32 to vector<16xi32>
      %add3A_816 = arith.addi %mul3A_715, %add3A_815 : vector<16xi32>
      %gather3A_817 = tpu.vector_load_idx %arg7[%add3A_816] : memref<13312xf32, #tpu.memory_space<vmem>>[vector<16xi32>], vector<16xf32>,
      %add3A_818 = arith.addf %add3A_812, %gather3A_817 : vector<16xf32>
      %add3A_819 = arith.constant 9 : i32
      %add3A_820 = arith.addi %mul3A_765, %add3A_819 : i32
      %add3A_821 = vector.broadcast %add3A_820 : i32 to vector<16xi32>
      %add3A_822 = arith.addi %mul3A_715, %add3A_821 : vector<16xi32>
      %gather3A_823 = tpu.vector_load_idx %arg7[%add3A_822] : memref<13312xf32, #tpu.memory_space<vmem>>[vector<16xi32>], vector<16xf32>,
      %add3A_824 = arith.addf %add3A_818, %gather3A_823 : vector<16xf32>
      %add3A_825 = arith.constant 10 : i32
      %add3A_826 = arith.addi %mul3A_765, %add3A_825 : i32
      %add3A_827 = vector.broadcast %add3A_826 : i32 to vector<16xi32>
      %add3A_828 = arith.addi %mul3A_715, %add3A_827 : vector<16xi32>
      %gather3A_829 = tpu.vector_load_idx %arg7[%add3A_828] : memref<13312xf32, #tpu.memory_space<vmem>>[vector<16xi32>], vector<16xf32>,
      %add3A_830 = arith.addf %add3A_824, %gather3A_829 : vector<16xf32>
      %add3A_831 = arith.constant 11 : i32
      %add3A_832 = arith.addi %mul3A_765, %add3A_831 : i32
      %add3A_833 = vector.broadcast %add3A_832 : i32 to vector<16xi32>
      %add3A_834 = arith.addi %mul3A_715, %add3A_833 : vector<16xi32>
      %gather3A_835 = tpu.vector_load_idx %arg7[%add3A_834] : memref<13312xf32, #tpu.memory_space<vmem>>[vector<16xi32>], vector<16xf32>,
      %add3A_836 = arith.addf %add3A_830, %gather3A_835 : vector<16xf32>
      %add3A_837 = arith.constant 12 : i32
      %add3A_838 = arith.addi %mul3A_765, %add3A_837 : i32
      %add3A_839 = vector.broadcast %add3A_838 : i32 to vector<16xi32>
      %add3A_840 = arith.addi %mul3A_715, %add3A_839 : vector<16xi32>
      %gather3A_841 = tpu.vector_load_idx %arg7[%add3A_840] : memref<13312xf32, #tpu.memory_space<vmem>>[vector<16xi32>], vector<16xf32>,
      %add3A_842 = arith.addf %add3A_836, %gather3A_841 : vector<16xf32>
      %add3A_843 = arith.constant 13 : i32
      %add3A_844 = arith.addi %mul3A_765, %add3A_843 : i32
      %add3A_845 = vector.broadcast %add3A_844 : i32 to vector<16xi32>
      %add3A_846 = arith.addi %mul3A_715, %add3A_845 : vector<16xi32>
      %gather3A_847 = tpu.vector_load_idx %arg7[%add3A_846] : memref<13312xf32, #tpu.memory_space<vmem>>[vector<16xi32>], vector<16xf32>,
      %add3A_848 = arith.addf %add3A_842, %gather3A_847 : vector<16xf32>
      %add3A_849 = arith.constant 14 : i32
      %add3A_850 = arith.addi %mul3A_765, %add3A_849 : i32
      %add3A_851 = vector.broadcast %add3A_850 : i32 to vector<16xi32>
      %add3A_852 = arith.addi %mul3A_715, %add3A_851 : vector<16xi32>
      %gather3A_853 = tpu.vector_load_idx %arg7[%add3A_852] : memref<13312xf32, #tpu.memory_space<vmem>>[vector<16xi32>], vector<16xf32>,
      %add3A_854 = arith.addf %add3A_848, %gather3A_853 : vector<16xf32>
      %add3A_855 = arith.constant 15 : i32
      %add3A_856 = arith.addi %mul3A_765, %add3A_855 : i32
      %add3A_857 = vector.broadcast %add3A_856 : i32 to vector<16xi32>
      %add3A_858 = arith.addi %mul3A_715, %add3A_857 : vector<16xi32>
      %gather3A_859 = tpu.vector_load_idx %arg7[%add3A_858] : memref<13312xf32, #tpu.memory_space<vmem>>[vector<16xi32>], vector<16xf32>,
      %add3A_860 = arith.addf %add3A_854, %gather3A_859 : vector<16xf32>
      %add3A_861 = arith.constant 16 : i32
      %add3A_862 = arith.addi %mul3A_765, %add3A_861 : i32
      %add3A_863 = vector.broadcast %add3A_862 : i32 to vector<16xi32>
      %add3A_864 = arith.addi %mul3A_715, %add3A_863 : vector<16xi32>
      %gather3A_865 = tpu.vector_load_idx %arg7[%add3A_864] : memref<13312xf32, #tpu.memory_space<vmem>>[vector<16xi32>], vector<16xf32>,
      %add3A_866 = arith.addf %add3A_860, %gather3A_865 : vector<16xf32>
      %add3A_867 = arith.constant 17 : i32
      %add3A_868 = arith.addi %mul3A_765, %add3A_867 : i32
      %add3A_869 = vector.broadcast %add3A_868 : i32 to vector<16xi32>
      %add3A_870 = arith.addi %mul3A_715, %add3A_869 : vector<16xi32>
      %gather3A_871 = tpu.vector_load_idx %arg7[%add3A_870] : memref<13312xf32, #tpu.memory_space<vmem>>[vector<16xi32>], vector<16xf32>,
      %add3A_872 = arith.addf %add3A_866, %gather3A_871 : vector<16xf32>
      %add3A_873 = arith.constant 18 : i32
      %add3A_874 = arith.addi %mul3A_765, %add3A_873 : i32
      %add3A_875 = vector.broadcast %add3A_874 : i32 to vector<16xi32>
      %add3A_876 = arith.addi %mul3A_715, %add3A_875 : vector<16xi32>
      %gather3A_877 = tpu.vector_load_idx %arg7[%add3A_876] : memref<13312xf32, #tpu.memory_space<vmem>>[vector<16xi32>], vector<16xf32>,
      %add3A_878 = arith.addf %add3A_872, %gather3A_877 : vector<16xf32>
      %add3A_879 = arith.constant 19 : i32
      %add3A_880 = arith.addi %mul3A_765, %add3A_879 : i32
      %add3A_881 = vector.broadcast %add3A_880 : i32 to vector<16xi32>
      %add3A_882 = arith.addi %mul3A_715, %add3A_881 : vector<16xi32>
      %gather3A_883 = tpu.vector_load_idx %arg7[%add3A_882] : memref<13312xf32, #tpu.memory_space<vmem>>[vector<16xi32>], vector<16xf32>,
      %add3A_884 = arith.addf %add3A_878, %gather3A_883 : vector<16xf32>
      %add3A_885 = arith.constant 20 : i32
      %add3A_886 = arith.addi %mul3A_765, %add3A_885 : i32
      %add3A_887 = vector.broadcast %add3A_886 : i32 to vector<16xi32>
      %add3A_888 = arith.addi %mul3A_715, %add3A_887 : vector<16xi32>
      %gather3A_889 = tpu.vector_load_idx %arg7[%add3A_888] : memref<13312xf32, #tpu.memory_space<vmem>>[vector<16xi32>], vector<16xf32>,
      %add3A_890 = arith.addf %add3A_884, %gather3A_889 : vector<16xf32>
      %add3A_891 = arith.constant 21 : i32
      %add3A_892 = arith.addi %mul3A_765, %add3A_891 : i32
      %add3A_893 = vector.broadcast %add3A_892 : i32 to vector<16xi32>
      %add3A_894 = arith.addi %mul3A_715, %add3A_893 : vector<16xi32>
      %gather3A_895 = tpu.vector_load_idx %arg7[%add3A_894] : memref<13312xf32, #tpu.memory_space<vmem>>[vector<16xi32>], vector<16xf32>,
      %add3A_896 = arith.addf %add3A_890, %gather3A_895 : vector<16xf32>
      %add3A_897 = arith.constant 22 : i32
      %add3A_898 = arith.addi %mul3A_765, %add3A_897 : i32
      %add3A_899 = vector.broadcast %add3A_898 : i32 to vector<16xi32>
      %add3A_900 = arith.addi %mul3A_715, %add3A_899 : vector<16xi32>
      %gather3A_901 = tpu.vector_load_idx %arg7[%add3A_900] : memref<13312xf32, #tpu.memory_space<vmem>>[vector<16xi32>], vector<16xf32>,
      %add3A_902 = arith.addf %add3A_896, %gather3A_901 : vector<16xf32>
      %add3A_903 = arith.constant 23 : i32
      %add3A_904 = arith.addi %mul3A_765, %add3A_903 : i32
      %add3A_905 = vector.broadcast %add3A_904 : i32 to vector<16xi32>
      %add3A_906 = arith.addi %mul3A_715, %add3A_905 : vector<16xi32>
      %gather3A_907 = tpu.vector_load_idx %arg7[%add3A_906] : memref<13312xf32, #tpu.memory_space<vmem>>[vector<16xi32>], vector<16xf32>,
      %add3A_908 = arith.addf %add3A_902, %gather3A_907 : vector<16xf32>
      %add3A_909 = arith.constant 24 : i32
      %add3A_910 = arith.addi %mul3A_765, %add3A_909 : i32
      %add3A_911 = vector.broadcast %add3A_910 : i32 to vector<16xi32>
      %add3A_912 = arith.addi %mul3A_715, %add3A_911 : vector<16xi32>
      %gather3A_913 = tpu.vector_load_idx %arg7[%add3A_912] : memref<13312xf32, #tpu.memory_space<vmem>>[vector<16xi32>], vector<16xf32>,
      %add3A_914 = arith.addf %add3A_908, %gather3A_913 : vector<16xf32>
      %add3A_915 = arith.constant 25 : i32
      %add3A_916 = arith.addi %mul3A_765, %add3A_915 : i32
      %add3A_917 = vector.broadcast %add3A_916 : i32 to vector<16xi32>
      %add3A_918 = arith.addi %mul3A_715, %add3A_917 : vector<16xi32>
      %gather3A_919 = tpu.vector_load_idx %arg7[%add3A_918] : memref<13312xf32, #tpu.memory_space<vmem>>[vector<16xi32>], vector<16xf32>,
      %add3A_920 = arith.addf %add3A_914, %gather3A_919 : vector<16xf32>
      %neg3A = arith.constant 0.000000e+00 : f32
      %neg3A_921 = vector.broadcast %neg3A : f32 to vector<16xf32>
      %neg3A_922 = arith.subf %neg3A_921, %add3A_920 : vector<16xf32>
      %exp3A = math.exp %neg3A_922 : vector<16xf32>
      %add3A_923 = arith.constant 1.000000e+00 : f32
      %add3A_924 = vector.broadcast %add3A_923 : f32 to vector<16xf32>
      %add3A_925 = arith.addf %add3A_924, %exp3A : vector<16xf32>
      %div3A = arith.constant 1.000000e+00 : f32
      %div3A_926 = vector.broadcast %div3A : f32 to vector<16xf32>
      %div3A_927 = arith.divf %div3A_926, %add3A_925 : vector<16xf32>
      %mul3A_928 = arith.constant 16 : i32
      %mul3A_929 = arith.muli %scan3A_763, %mul3A_928 : i32
      %swap3A_930 = arith.index_cast %mul3A_929 : i32 to index
      %swap3A_931 = tpu.vector_load %arg8[%swap3A_930] {strides = array<i32>} : memref<512xf32, #tpu.memory_space<vmem>>, vector<16xf32>,
      tpu.vector_store %arg8[%swap3A_930], %div3A_927 {strides = array<i32>} : memref<512xf32, #tpu.memory_space<vmem>>, vector<16xf32>,
    }
    %scan3A_720 = arith.constant 30 : i32
    %dma_wait3A = arith.constant 12544 : i32
    %dma_wait3A_721 = tpu.memref_slice %arg7[%dma_wait3A] : memref<13312xf32, #tpu.memory_space<vmem>> -> memref<128xf32, #tpu.memory_space<vmem>>
    %dma_wait3A_722 = arith.constant 12544 : i32
    %dma_wait3A_723 = tpu.memref_slice %arg6[%dma_wait3A_722] : memref<13312xi32, #tpu.memory_space<vmem>> -> memref<128xi32, #tpu.memory_space<vmem>>
    %dma_wait3A_724 = arith.constant 0 : i32
    %dma_wait3A_725 = tpu.memref_slice %arg3[%dma_wait3A_724] : memref<2600000xf32, #tpu.memory_space<hbm>> -> memref<2600000xf32, #tpu.memory_space<hbm>>
    tpu.wait_indirect_dma semaphore(%arg10 : memref<!tpu.dma_semaphore, #tpu.memory_space<semaphore_mem>>) src(%dma_wait3A_725 : memref<2600000xf32, #tpu.memory_space<hbm>>) dst(%dma_wait3A_721 : memref<128xf32, #tpu.memory_space<vmem>>)
    %dma_wait3A_726 = arith.constant 12672 : i32
    %dma_wait3A_727 = tpu.memref_slice %arg7[%dma_wait3A_726] : memref<13312xf32, #tpu.memory_space<vmem>> -> memref<128xf32, #tpu.memory_space<vmem>>
    %dma_wait3A_728 = arith.constant 12672 : i32
    %dma_wait3A_729 = tpu.memref_slice %arg6[%dma_wait3A_728] : memref<13312xi32, #tpu.memory_space<vmem>> -> memref<128xi32, #tpu.memory_space<vmem>>
    %dma_wait3A_730 = arith.constant 0 : i32
    %dma_wait3A_731 = tpu.memref_slice %arg3[%dma_wait3A_730] : memref<2600000xf32, #tpu.memory_space<hbm>> -> memref<2600000xf32, #tpu.memory_space<hbm>>
    tpu.wait_indirect_dma semaphore(%arg10 : memref<!tpu.dma_semaphore, #tpu.memory_space<semaphore_mem>>) src(%dma_wait3A_731 : memref<2600000xf32, #tpu.memory_space<hbm>>) dst(%dma_wait3A_727 : memref<128xf32, #tpu.memory_space<vmem>>)
    %dma_wait3A_732 = arith.constant 12800 : i32
    %dma_wait3A_733 = tpu.memref_slice %arg7[%dma_wait3A_732] : memref<13312xf32, #tpu.memory_space<vmem>> -> memref<128xf32, #tpu.memory_space<vmem>>
    %dma_wait3A_734 = arith.constant 12800 : i32
    %dma_wait3A_735 = tpu.memref_slice %arg6[%dma_wait3A_734] : memref<13312xi32, #tpu.memory_space<vmem>> -> memref<128xi32, #tpu.memory_space<vmem>>
    %dma_wait3A_736 = arith.constant 0 : i32
    %dma_wait3A_737 = tpu.memref_slice %arg3[%dma_wait3A_736] : memref<2600000xf32, #tpu.memory_space<hbm>> -> memref<2600000xf32, #tpu.memory_space<hbm>>
    tpu.wait_indirect_dma semaphore(%arg10 : memref<!tpu.dma_semaphore, #tpu.memory_space<semaphore_mem>>) src(%dma_wait3A_737 : memref<2600000xf32, #tpu.memory_space<hbm>>) dst(%dma_wait3A_733 : memref<128xf32, #tpu.memory_space<vmem>>)
    %dma_wait3A_738 = arith.constant 12928 : i32
    %dma_wait3A_739 = tpu.memref_slice %arg7[%dma_wait3A_738] : memref<13312xf32, #tpu.memory_space<vmem>> -> memref<128xf32, #tpu.memory_space<vmem>>
    %dma_wait3A_740 = arith.constant 12928 : i32
    %dma_wait3A_741 = tpu.memref_slice %arg6[%dma_wait3A_740] : memref<13312xi32, #tpu.memory_space<vmem>> -> memref<128xi32, #tpu.memory_space<vmem>>
    %dma_wait3A_742 = arith.constant 0 : i32
    %dma_wait3A_743 = tpu.memref_slice %arg3[%dma_wait3A_742] : memref<2600000xf32, #tpu.memory_space<hbm>> -> memref<2600000xf32, #tpu.memory_space<hbm>>
    tpu.wait_indirect_dma semaphore(%arg10 : memref<!tpu.dma_semaphore, #tpu.memory_space<semaphore_mem>>) src(%dma_wait3A_743 : memref<2600000xf32, #tpu.memory_space<hbm>>) dst(%dma_wait3A_739 : memref<128xf32, #tpu.memory_space<vmem>>)
    %dma_wait3A_744 = arith.constant 13056 : i32
    %dma_wait3A_745 = tpu.memref_slice %arg7[%dma_wait3A_744] : memref<13312xf32, #tpu.memory_space<vmem>> -> memref<128xf32, #tpu.memory_space<vmem>>
    %dma_wait3A_746 = arith.constant 13056 : i32
    %dma_wait3A_747 = tpu.memref_slice %arg6[%dma_wait3A_746] : memref<13312xi32, #tpu.memory_space<vmem>> -> memref<128xi32, #tpu.memory_space<vmem>>
    %dma_wait3A_748 = arith.constant 0 : i32
    %dma_wait3A_749 = tpu.memref_slice %arg3[%dma_wait3A_748] : memref<2600000xf32, #tpu.memory_space<hbm>> -> memref<2600000xf32, #tpu.memory_space<hbm>>
    tpu.wait_indirect_dma semaphore(%arg10 : memref<!tpu.dma_semaphore, #tpu.memory_space<semaphore_mem>>) src(%dma_wait3A_749 : memref<2600000xf32, #tpu.memory_space<hbm>>) dst(%dma_wait3A_745 : memref<128xf32, #tpu.memory_space<vmem>>)
    %dma_wait3A_750 = arith.constant 13184 : i32
    %dma_wait3A_751 = tpu.memref_slice %arg7[%dma_wait3A_750] : memref<13312xf32, #tpu.memory_space<vmem>> -> memref<128xf32, #tpu.memory_space<vmem>>
    %dma_wait3A_752 = arith.constant 13184 : i32
    %dma_wait3A_753 = tpu.memref_slice %arg6[%dma_wait3A_752] : memref<13312xi32, #tpu.memory_space<vmem>> -> memref<128xi32, #tpu.memory_space<vmem>>
    %dma_wait3A_754 = arith.constant 0 : i32
    %dma_wait3A_755 = tpu.memref_slice %arg3[%dma_wait3A_754] : memref<2600000xf32, #tpu.memory_space<hbm>> -> memref<2600000xf32, #tpu.memory_space<hbm>>
    tpu.wait_indirect_dma semaphore(%arg10 : memref<!tpu.dma_semaphore, #tpu.memory_space<semaphore_mem>>) src(%dma_wait3A_755 : memref<2600000xf32, #tpu.memory_space<hbm>>) dst(%dma_wait3A_751 : memref<128xf32, #tpu.memory_space<vmem>>)
    %scan3A_756 = arith.constant 30 : i32
    %scan3A_757 = arith.constant 2 : i32
    %scan3A_758 = arith.addi %scan3A_756, %scan3A_757 : i32
    %scan3A_759 = arith.constant 1 : i32
    scf.for %scan3A_763 = %scan3A_756 to %scan3A_758 step %scan3A_759  : i32 {
      %mul3A_764 = arith.constant 416 : i32
      %mul3A_765 = arith.muli %scan3A_763, %mul3A_764 : i32
      %add3A_766 = arith.constant 0 : i32
      %add3A_767 = arith.addi %mul3A_765, %add3A_766 : i32
      %add3A_768 = vector.broadcast %add3A_767 : i32 to vector<16xi32>
      %add3A_769 = arith.addi %mul3A_715, %add3A_768 : vector<16xi32>
      %gather3A = tpu.vector_load_idx %arg7[%add3A_769] : memref<13312xf32, #tpu.memory_space<vmem>>[vector<16xi32>], vector<16xf32>,
      %add3A_770 = arith.addf %get3A_712, %gather3A : vector<16xf32>
      %add3A_771 = arith.constant 1 : i32
      %add3A_772 = arith.addi %mul3A_765, %add3A_771 : i32
      %add3A_773 = vector.broadcast %add3A_772 : i32 to vector<16xi32>
      %add3A_774 = arith.addi %mul3A_715, %add3A_773 : vector<16xi32>
      %gather3A_775 = tpu.vector_load_idx %arg7[%add3A_774] : memref<13312xf32, #tpu.memory_space<vmem>>[vector<16xi32>], vector<16xf32>,
      %add3A_776 = arith.addf %add3A_770, %gather3A_775 : vector<16xf32>
      %add3A_777 = arith.constant 2 : i32
      %add3A_778 = arith.addi %mul3A_765, %add3A_777 : i32
      %add3A_779 = vector.broadcast %add3A_778 : i32 to vector<16xi32>
      %add3A_780 = arith.addi %mul3A_715, %add3A_779 : vector<16xi32>
      %gather3A_781 = tpu.vector_load_idx %arg7[%add3A_780] : memref<13312xf32, #tpu.memory_space<vmem>>[vector<16xi32>], vector<16xf32>,
      %add3A_782 = arith.addf %add3A_776, %gather3A_781 : vector<16xf32>
      %add3A_783 = arith.constant 3 : i32
      %add3A_784 = arith.addi %mul3A_765, %add3A_783 : i32
      %add3A_785 = vector.broadcast %add3A_784 : i32 to vector<16xi32>
      %add3A_786 = arith.addi %mul3A_715, %add3A_785 : vector<16xi32>
      %gather3A_787 = tpu.vector_load_idx %arg7[%add3A_786] : memref<13312xf32, #tpu.memory_space<vmem>>[vector<16xi32>], vector<16xf32>,
      %add3A_788 = arith.addf %add3A_782, %gather3A_787 : vector<16xf32>
      %add3A_789 = arith.constant 4 : i32
      %add3A_790 = arith.addi %mul3A_765, %add3A_789 : i32
      %add3A_791 = vector.broadcast %add3A_790 : i32 to vector<16xi32>
      %add3A_792 = arith.addi %mul3A_715, %add3A_791 : vector<16xi32>
      %gather3A_793 = tpu.vector_load_idx %arg7[%add3A_792] : memref<13312xf32, #tpu.memory_space<vmem>>[vector<16xi32>], vector<16xf32>,
      %add3A_794 = arith.addf %add3A_788, %gather3A_793 : vector<16xf32>
      %add3A_795 = arith.constant 5 : i32
      %add3A_796 = arith.addi %mul3A_765, %add3A_795 : i32
      %add3A_797 = vector.broadcast %add3A_796 : i32 to vector<16xi32>
      %add3A_798 = arith.addi %mul3A_715, %add3A_797 : vector<16xi32>
      %gather3A_799 = tpu.vector_load_idx %arg7[%add3A_798] : memref<13312xf32, #tpu.memory_space<vmem>>[vector<16xi32>], vector<16xf32>,
      %add3A_800 = arith.addf %add3A_794, %gather3A_799 : vector<16xf32>
      %add3A_801 = arith.constant 6 : i32
      %add3A_802 = arith.addi %mul3A_765, %add3A_801 : i32
      %add3A_803 = vector.broadcast %add3A_802 : i32 to vector<16xi32>
      %add3A_804 = arith.addi %mul3A_715, %add3A_803 : vector<16xi32>
      %gather3A_805 = tpu.vector_load_idx %arg7[%add3A_804] : memref<13312xf32, #tpu.memory_space<vmem>>[vector<16xi32>], vector<16xf32>,
      %add3A_806 = arith.addf %add3A_800, %gather3A_805 : vector<16xf32>
      %add3A_807 = arith.constant 7 : i32
      %add3A_808 = arith.addi %mul3A_765, %add3A_807 : i32
      %add3A_809 = vector.broadcast %add3A_808 : i32 to vector<16xi32>
      %add3A_810 = arith.addi %mul3A_715, %add3A_809 : vector<16xi32>
      %gather3A_811 = tpu.vector_load_idx %arg7[%add3A_810] : memref<13312xf32, #tpu.memory_space<vmem>>[vector<16xi32>], vector<16xf32>,
      %add3A_812 = arith.addf %add3A_806, %gather3A_811 : vector<16xf32>
      %add3A_813 = arith.constant 8 : i32
      %add3A_814 = arith.addi %mul3A_765, %add3A_813 : i32
      %add3A_815 = vector.broadcast %add3A_814 : i32 to vector<16xi32>
      %add3A_816 = arith.addi %mul3A_715, %add3A_815 : vector<16xi32>
      %gather3A_817 = tpu.vector_load_idx %arg7[%add3A_816] : memref<13312xf32, #tpu.memory_space<vmem>>[vector<16xi32>], vector<16xf32>,
      %add3A_818 = arith.addf %add3A_812, %gather3A_817 : vector<16xf32>
      %add3A_819 = arith.constant 9 : i32
      %add3A_820 = arith.addi %mul3A_765, %add3A_819 : i32
      %add3A_821 = vector.broadcast %add3A_820 : i32 to vector<16xi32>
      %add3A_822 = arith.addi %mul3A_715, %add3A_821 : vector<16xi32>
      %gather3A_823 = tpu.vector_load_idx %arg7[%add3A_822] : memref<13312xf32, #tpu.memory_space<vmem>>[vector<16xi32>], vector<16xf32>,
      %add3A_824 = arith.addf %add3A_818, %gather3A_823 : vector<16xf32>
      %add3A_825 = arith.constant 10 : i32
      %add3A_826 = arith.addi %mul3A_765, %add3A_825 : i32
      %add3A_827 = vector.broadcast %add3A_826 : i32 to vector<16xi32>
      %add3A_828 = arith.addi %mul3A_715, %add3A_827 : vector<16xi32>
      %gather3A_829 = tpu.vector_load_idx %arg7[%add3A_828] : memref<13312xf32, #tpu.memory_space<vmem>>[vector<16xi32>], vector<16xf32>,
      %add3A_830 = arith.addf %add3A_824, %gather3A_829 : vector<16xf32>
      %add3A_831 = arith.constant 11 : i32
      %add3A_832 = arith.addi %mul3A_765, %add3A_831 : i32
      %add3A_833 = vector.broadcast %add3A_832 : i32 to vector<16xi32>
      %add3A_834 = arith.addi %mul3A_715, %add3A_833 : vector<16xi32>
      %gather3A_835 = tpu.vector_load_idx %arg7[%add3A_834] : memref<13312xf32, #tpu.memory_space<vmem>>[vector<16xi32>], vector<16xf32>,
      %add3A_836 = arith.addf %add3A_830, %gather3A_835 : vector<16xf32>
      %add3A_837 = arith.constant 12 : i32
      %add3A_838 = arith.addi %mul3A_765, %add3A_837 : i32
      %add3A_839 = vector.broadcast %add3A_838 : i32 to vector<16xi32>
      %add3A_840 = arith.addi %mul3A_715, %add3A_839 : vector<16xi32>
      %gather3A_841 = tpu.vector_load_idx %arg7[%add3A_840] : memref<13312xf32, #tpu.memory_space<vmem>>[vector<16xi32>], vector<16xf32>,
      %add3A_842 = arith.addf %add3A_836, %gather3A_841 : vector<16xf32>
      %add3A_843 = arith.constant 13 : i32
      %add3A_844 = arith.addi %mul3A_765, %add3A_843 : i32
      %add3A_845 = vector.broadcast %add3A_844 : i32 to vector<16xi32>
      %add3A_846 = arith.addi %mul3A_715, %add3A_845 : vector<16xi32>
      %gather3A_847 = tpu.vector_load_idx %arg7[%add3A_846] : memref<13312xf32, #tpu.memory_space<vmem>>[vector<16xi32>], vector<16xf32>,
      %add3A_848 = arith.addf %add3A_842, %gather3A_847 : vector<16xf32>
      %add3A_849 = arith.constant 14 : i32
      %add3A_850 = arith.addi %mul3A_765, %add3A_849 : i32
      %add3A_851 = vector.broadcast %add3A_850 : i32 to vector<16xi32>
      %add3A_852 = arith.addi %mul3A_715, %add3A_851 : vector<16xi32>
      %gather3A_853 = tpu.vector_load_idx %arg7[%add3A_852] : memref<13312xf32, #tpu.memory_space<vmem>>[vector<16xi32>], vector<16xf32>,
      %add3A_854 = arith.addf %add3A_848, %gather3A_853 : vector<16xf32>
      %add3A_855 = arith.constant 15 : i32
      %add3A_856 = arith.addi %mul3A_765, %add3A_855 : i32
      %add3A_857 = vector.broadcast %add3A_856 : i32 to vector<16xi32>
      %add3A_858 = arith.addi %mul3A_715, %add3A_857 : vector<16xi32>
      %gather3A_859 = tpu.vector_load_idx %arg7[%add3A_858] : memref<13312xf32, #tpu.memory_space<vmem>>[vector<16xi32>], vector<16xf32>,
      %add3A_860 = arith.addf %add3A_854, %gather3A_859 : vector<16xf32>
      %add3A_861 = arith.constant 16 : i32
      %add3A_862 = arith.addi %mul3A_765, %add3A_861 : i32
      %add3A_863 = vector.broadcast %add3A_862 : i32 to vector<16xi32>
      %add3A_864 = arith.addi %mul3A_715, %add3A_863 : vector<16xi32>
      %gather3A_865 = tpu.vector_load_idx %arg7[%add3A_864] : memref<13312xf32, #tpu.memory_space<vmem>>[vector<16xi32>], vector<16xf32>,
      %add3A_866 = arith.addf %add3A_860, %gather3A_865 : vector<16xf32>
      %add3A_867 = arith.constant 17 : i32
      %add3A_868 = arith.addi %mul3A_765, %add3A_867 : i32
      %add3A_869 = vector.broadcast %add3A_868 : i32 to vector<16xi32>
      %add3A_870 = arith.addi %mul3A_715, %add3A_869 : vector<16xi32>
      %gather3A_871 = tpu.vector_load_idx %arg7[%add3A_870] : memref<13312xf32, #tpu.memory_space<vmem>>[vector<16xi32>], vector<16xf32>,
      %add3A_872 = arith.addf %add3A_866, %gather3A_871 : vector<16xf32>
      %add3A_873 = arith.constant 18 : i32
      %add3A_874 = arith.addi %mul3A_765, %add3A_873 : i32
      %add3A_875 = vector.broadcast %add3A_874 : i32 to vector<16xi32>
      %add3A_876 = arith.addi %mul3A_715, %add3A_875 : vector<16xi32>
      %gather3A_877 = tpu.vector_load_idx %arg7[%add3A_876] : memref<13312xf32, #tpu.memory_space<vmem>>[vector<16xi32>], vector<16xf32>,
      %add3A_878 = arith.addf %add3A_872, %gather3A_877 : vector<16xf32>
      %add3A_879 = arith.constant 19 : i32
      %add3A_880 = arith.addi %mul3A_765, %add3A_879 : i32
      %add3A_881 = vector.broadcast %add3A_880 : i32 to vector<16xi32>
      %add3A_882 = arith.addi %mul3A_715, %add3A_881 : vector<16xi32>
      %gather3A_883 = tpu.vector_load_idx %arg7[%add3A_882] : memref<13312xf32, #tpu.memory_space<vmem>>[vector<16xi32>], vector<16xf32>,
      %add3A_884 = arith.addf %add3A_878, %gather3A_883 : vector<16xf32>
      %add3A_885 = arith.constant 20 : i32
      %add3A_886 = arith.addi %mul3A_765, %add3A_885 : i32
      %add3A_887 = vector.broadcast %add3A_886 : i32 to vector<16xi32>
      %add3A_888 = arith.addi %mul3A_715, %add3A_887 : vector<16xi32>
      %gather3A_889 = tpu.vector_load_idx %arg7[%add3A_888] : memref<13312xf32, #tpu.memory_space<vmem>>[vector<16xi32>], vector<16xf32>,
      %add3A_890 = arith.addf %add3A_884, %gather3A_889 : vector<16xf32>
      %add3A_891 = arith.constant 21 : i32
      %add3A_892 = arith.addi %mul3A_765, %add3A_891 : i32
      %add3A_893 = vector.broadcast %add3A_892 : i32 to vector<16xi32>
      %add3A_894 = arith.addi %mul3A_715, %add3A_893 : vector<16xi32>
      %gather3A_895 = tpu.vector_load_idx %arg7[%add3A_894] : memref<13312xf32, #tpu.memory_space<vmem>>[vector<16xi32>], vector<16xf32>,
      %add3A_896 = arith.addf %add3A_890, %gather3A_895 : vector<16xf32>
      %add3A_897 = arith.constant 22 : i32
      %add3A_898 = arith.addi %mul3A_765, %add3A_897 : i32
      %add3A_899 = vector.broadcast %add3A_898 : i32 to vector<16xi32>
      %add3A_900 = arith.addi %mul3A_715, %add3A_899 : vector<16xi32>
      %gather3A_901 = tpu.vector_load_idx %arg7[%add3A_900] : memref<13312xf32, #tpu.memory_space<vmem>>[vector<16xi32>], vector<16xf32>,
      %add3A_902 = arith.addf %add3A_896, %gather3A_901 : vector<16xf32>
      %add3A_903 = arith.constant 23 : i32
      %add3A_904 = arith.addi %mul3A_765, %add3A_903 : i32
      %add3A_905 = vector.broadcast %add3A_904 : i32 to vector<16xi32>
      %add3A_906 = arith.addi %mul3A_715, %add3A_905 : vector<16xi32>
      %gather3A_907 = tpu.vector_load_idx %arg7[%add3A_906] : memref<13312xf32, #tpu.memory_space<vmem>>[vector<16xi32>], vector<16xf32>,
      %add3A_908 = arith.addf %add3A_902, %gather3A_907 : vector<16xf32>
      %add3A_909 = arith.constant 24 : i32
      %add3A_910 = arith.addi %mul3A_765, %add3A_909 : i32
      %add3A_911 = vector.broadcast %add3A_910 : i32 to vector<16xi32>
      %add3A_912 = arith.addi %mul3A_715, %add3A_911 : vector<16xi32>
      %gather3A_913 = tpu.vector_load_idx %arg7[%add3A_912] : memref<13312xf32, #tpu.memory_space<vmem>>[vector<16xi32>], vector<16xf32>,
      %add3A_914 = arith.addf %add3A_908, %gather3A_913 : vector<16xf32>
      %add3A_915 = arith.constant 25 : i32
      %add3A_916 = arith.addi %mul3A_765, %add3A_915 : i32
      %add3A_917 = vector.broadcast %add3A_916 : i32 to vector<16xi32>
      %add3A_918 = arith.addi %mul3A_715, %add3A_917 : vector<16xi32>
      %gather3A_919 = tpu.vector_load_idx %arg7[%add3A_918] : memref<13312xf32, #tpu.memory_space<vmem>>[vector<16xi32>], vector<16xf32>,
      %add3A_920 = arith.addf %add3A_914, %gather3A_919 : vector<16xf32>
      %neg3A = arith.constant 0.000000e+00 : f32
      %neg3A_921 = vector.broadcast %neg3A : f32 to vector<16xf32>
      %neg3A_922 = arith.subf %neg3A_921, %add3A_920 : vector<16xf32>
      %exp3A = math.exp %neg3A_922 : vector<16xf32>
      %add3A_923 = arith.constant 1.000000e+00 : f32
      %add3A_924 = vector.broadcast %add3A_923 : f32 to vector<16xf32>
      %add3A_925 = arith.addf %add3A_924, %exp3A : vector<16xf32>
      %div3A = arith.constant 1.000000e+00 : f32
      %div3A_926 = vector.broadcast %div3A : f32 to vector<16xf32>
      %div3A_927 = arith.divf %div3A_926, %add3A_925 : vector<16xf32>
      %mul3A_928 = arith.constant 16 : i32
      %mul3A_929 = arith.muli %scan3A_763, %mul3A_928 : i32
      %swap3A_930 = arith.index_cast %mul3A_929 : i32 to index
      %swap3A_931 = tpu.vector_load %arg8[%swap3A_930] {strides = array<i32>} : memref<512xf32, #tpu.memory_space<vmem>>, vector<16xf32>,
      tpu.vector_store %arg8[%swap3A_930], %div3A_927 {strides = array<i32>} : memref<512xf32, #tpu.memory_space<vmem>>, vector<16xf32>,
    }
    %scan3A_760 = arith.constant 2 : i32
    %mul3A_761 = arith.constant 512 : i32
    %mul3A_762 = arith.muli %add3A, %mul3A_761 : i32
    "tpu.region"() ({
      %run_scoped3A = tpu.sem_alloc : memref<!tpu.dma_semaphore, #tpu.memory_space<semaphore_mem>>
      %dma_start3A_763 = tpu.memref_slice %arg5[%mul3A_762] : memref<16384xf32, #tpu.memory_space<hbm>> -> memref<512xf32, #tpu.memory_space<hbm>>
      %dma_start3A_764 = tpu.memref_slice %arg5[%mul3A_762] : memref<16384xf32, #tpu.memory_space<hbm>> -> memref<512xf32, #tpu.memory_space<hbm>>
      tpu.enqueue_dma source(%arg8 : memref<512xf32, #tpu.memory_space<vmem>>) target(%dma_start3A_764 : memref<512xf32, #tpu.memory_space<hbm>>) target_semaphore(%run_scoped3A : memref<!tpu.dma_semaphore, #tpu.memory_space<semaphore_mem>>)
      %dma_wait3A_765 = tpu.memref_slice %arg5[%mul3A_762] : memref<16384xf32, #tpu.memory_space<hbm>> -> memref<512xf32, #tpu.memory_space<hbm>>
      %dma_wait3A_766 = tpu.memref_slice %arg5[%mul3A_762] : memref<16384xf32, #tpu.memory_space<hbm>> -> memref<512xf32, #tpu.memory_space<hbm>>
      tpu.wait_dma2 semaphore(%run_scoped3A : memref<!tpu.dma_semaphore, #tpu.memory_space<semaphore_mem>>) src(%arg8 : memref<512xf32, #tpu.memory_space<vmem>>) dst(%dma_wait3A_766 : memref<512xf32, #tpu.memory_space<hbm>>)
      tpu.yield
    }) : () -> ()
    return
  }
}

</mosaic_0001>

<sc_bundles>
// kernel: kernel.3.cloned.1.call-start
scs
__scs_entry_jumppad:
0x0: {  	(pc) =	sbr.rel $0x88, $3  }
0x1: {  	(tag) =	ssettag $0x0;
	lr =	simm.s32 $0x1  }
0x2: {  	[smem:$0x3F9E] =	sst lr;
	_ =	strace $0xD0000000  }
0x3: {  	_ = 	snop  }
0x4: {  	_ = 	snop  }
0x5: {  	_ = 	snop  }
0x6: {  	_ = 	snop  }
0x7: {  	_ = 	snop  }
__scs_overlays_trampoline_lowered:
0x8: {  	[smem:$0x3FAD] =	sst s0  }
0x9: {  	[smem:$0x3FAE] =	sst s1  }
0xa: {  	[smem:$0x3FAF] =	sst s2  }
0xb: {  	[smem:$0x3FB0] =	sst s3  }
0xc: {  	[smem:$0x3FB1] =	sst s4  }
0xd: {  	[smem:$0x3FB2] =	sst s5  }
0xe: {  	[smem:$0x3FB3] =	sst s6  }
0xf: {  	[smem:$0x3FB4] =	sst s7  }
0x10: {  	[smem:$0x3FB5] =	sst s8  }
0x11: {  	[smem:$0x3FB6] =	sst s9;
	s0 =	simm.s32 @!p0 $0x0  }
0x12: {  	s1 =	sld [smem:$0x3F9C];
	s0 =	simm.s32 @p0 $0x1  }
0x13: {  	[smem:$0x3FB7] =	sst s0;
	s0 =	simm.s32 @!p1 $0x0  }
0x14: {  	s2 =	sld [smem:$0x3F9B];
	s0 =	simm.s32 @p1 $0x1  }
0x15: {  	[smem:$0x3FB8] =	sst s0;
	s0 =	simm.s32 @!p2 $0x0  }
0x16: {  	s3 =	sld [smem:$0x3FDB];
	s0 =	simm.s32 @p2 $0x1  }
0x17: {  	s4 =	simm.s32 $0x1BF5;
	[smem:$0x3FBA] =	sst s0  }
0x18: {  	s0 =	sld [smem:$0x3F9D];
	_ =	swait.ge [sflag:s4], $0x0  }
0x19: {  	s7 =	sld [smem:$0x3F9E]  }
0x1a: {  	s8 =	sadd.s32 $0xFFFFE003, lr  }
0x1b: {  	s9 =	sadd.s32 $0xFFFFFEF7, lr;
	s5 =	simm.s32 $0xFFFFFFFF;
	p2 =	slt.u32 s8, $0xFFFFF086  }
0x1c: {  	p1 =	slt.u32 s9, $0xF7A;
	s5 =	simm.s32 @!p2 $0x0  }
0x1d: {  	s5 =	simm.s32 @p1 $0x1;
	p0 =	seq.s32 s7, s2  }
0x1e: {  	s7 =	smul.u32 @!p0 $0xF7A, s2;
	p2 =	seq.s32 @!p0 s5, $0x0  }
0x1f: {  	s9 =	smul.u32 $0xF7A, s1;
	s8 =	simm.s32 @!p0 $0x1BF5;
	p2 =	por !p2, p0  }
0x20: {  	[sflag:s8] =	ssyncset.s32 @!p0 $0xFFFFF086;
	s6 =	sadd.s32 @!p0 s3, s7;
	s7 =	simm.s32 @!p0 $0x108  }
0x21: {  	s3 =	sadd.s32 s3, s9;
	s6 =	sadd.s32 @!p0 $0x88, s6;
	s7 =	simm.s32 @p2 $0x1082  }
0x22: {  	[simem:s7], [sflag:s8] =	dma.local @!p0 [hbm:s6], $0xF7A  }
0x23: {  	s9 =	sor.u32 $0xD0000000, s2;
	s6 =	simm.s32 $0x108;
	_ =	swait.ge @!p0 [sflag:s8], $0x0  }
0x24: {  	s3 =	sadd.s32 $0x88, s3;
	s6 =	simm.s32 @!p1 $0x1082;
	[sflag:s4] =	ssyncset.s32 $0xFFFFF086  }
0x25: {  	[simem:s6], [sflag:s4] =	dma.local [hbm:s3], $0xF7A  }
0x26: {  	[smem:$0x3F9E] =	sst s1;
	(tag) =	ssettag s2;
	_ =	strace s9  }
0x27: {  	s1 =	sld [smem:$0x3FAE]  }
0x28: {  	s2 =	sld [smem:$0x3FAF]  }
0x29: {  	s4 =	sld [smem:$0x3FB1]  }
0x2a: {  	p0 =	seq.s32 s5, $0x0;
	s5 =	sld [smem:$0x3FB2]  }
0x2b: {  	s6 =	sld [smem:$0x3FB3]  }
0x2c: {  	s7 =	sld [smem:$0x3FB4]  }
0x2d: {  	s3 =	simm.s32 $0x108;
	s8 =	sld [smem:$0x3FB5]  }
0x2e: {  	s3 =	simm.s32 @!p0 $0x1082;
	s9 =	sld [smem:$0x3FB6]  }
0x2f: {  	lr =	sadd.s32 s0, s3;
	s0 =	sld [smem:$0x3FAD]  }
0x30: {  	s3 =	sld [smem:$0x3FB0]  }
0x31: {  	[smem:$0x3FB9] =	sst s10  }
0x32: {  	s10 =	sld [smem:$0x3FB7];
	_ =	sdelay $0x3  }
0x33: {  	p0 =	seq.s32 s10, $0x1;
	s10 =	sld [smem:$0x3FB9];
	_ =	sdelay $0x3  }
0x34: {  	[smem:$0x3FB9] =	sst s10  }
0x35: {  	s10 =	sld [smem:$0x3FB8];
	_ =	sdelay $0x3  }
0x36: {  	p1 =	seq.s32 s10, $0x1;
	s10 =	sld [smem:$0x3FB9];
	_ =	sdelay $0x3  }
0x37: {  	[smem:$0x3FB9] =	sst s10  }
0x38: {  	s10 =	sld [smem:$0x3FBA]  }
0x39: {  	_ = 	snop;
	(pc) =	sbr.ind lr, $3  }
0x3a: {  	_ = 	snop  }
0x3b: {  	_ = 	snop  }
0x3c: {  	p2 =	seq.s32 s10, $0x1;
	s10 =	sld [smem:$0x3FB9]  }
0x3d: {  	_ =	shalt  }
0x3e: {  	_ =	shalt  }
0x3f: {  	_ =	shalt  }
0x40: {  	_ =	shalt  }
0x41: {  	_ =	shalt  }
0x42: {  	_ =	shalt  }
0x43: {  	_ =	shalt  }
0x44: {  	_ =	shalt  }
0x45: {  	_ =	shalt  }
0x46: {  	_ =	shalt  }
0x47: {  	_ =	shalt  }
0x48: {  	_ =	shalt  }
0x49: {  	_ =	shalt  }
0x4a: {  	_ =	shalt  }
0x4b: {  	_ =	shalt  }
0x4c: {  	_ =	shalt  }
0x4d: {  	_ =	shalt  }
0x4e: {  	_ =	shalt  }
0x4f: {  	_ =	shalt  }
0x50: {  	_ =	shalt  }
0x51: {  	_ =	shalt  }
0x52: {  	_ =	shalt  }
0x53: {  	_ =	shalt  }
0x54: {  	_ =	shalt  }
0x55: {  	_ =	shalt  }
0x56: {  	_ =	shalt  }
0x57: {  	_ =	shalt  }
0x58: {  	_ =	shalt  }
0x59: {  	_ =	shalt  }
0x5a: {  	_ =	shalt  }
0x5b: {  	_ =	shalt  }
0x5c: {  	_ =	shalt  }
0x5d: {  	_ =	shalt  }
0x5e: {  	_ =	shalt  }
0x5f: {  	_ =	shalt  }
0x60: {  	_ =	shalt  }
0x61: {  	_ =	shalt  }
0x62: {  	_ =	shalt  }
0x63: {  	_ =	shalt  }
0x64: {  	_ =	shalt  }
0x65: {  	_ =	shalt  }
0x66: {  	_ =	shalt  }
0x67: {  	_ =	shalt  }
0x68: {  	_ =	shalt  }
0x69: {  	_ =	shalt  }
0x6a: {  	_ =	shalt  }
0x6b: {  	_ =	shalt  }
0x6c: {  	_ =	shalt  }
0x6d: {  	_ =	shalt  }
0x6e: {  	_ =	shalt  }
0x6f: {  	_ =	shalt  }
0x70: {  	_ =	shalt  }
0x71: {  	_ =	shalt  }
0x72: {  	_ =	shalt  }
0x73: {  	_ =	shalt  }
0x74: {  	_ =	shalt  }
0x75: {  	_ =	shalt  }
0x76: {  	_ =	shalt  }
0x77: {  	_ =	shalt  }
0x78: {  	_ =	shalt  }
0x79: {  	_ =	shalt  }
0x7a: {  	_ =	shalt  }
0x7b: {  	_ =	shalt  }
0x7c: {  	_ =	shalt  }
0x7d: {  	_ =	shalt  }
0x7e: {  	_ =	shalt  }
0x7f: {  	_ =	shalt  }
0x80: {  	_ =	shalt  }
0x81: {  	_ =	shalt  }
0x82: {  	_ =	shalt  }
0x83: {  	_ =	shalt  }
0x84: {  	_ =	shalt  }
0x85: {  	_ =	shalt  }
0x86: {  	_ =	shalt  }
0x87: {  	_ =	shalt  }
.Lfunc_end0:
.L_simem_size_0:
called_computation_lowered:
.L_overlay_start_0:
0x88: {  	s2 =	sld [smem:$0x3FD9]  }
0x89: {  	s3 =	sld [smem:$0x3FFE];
	_ =	sdelay $0x1  }
0x8a: {  	s1 =	srdreg.scid  }
0x8b: {  	s0 =	sand.u32 $0x1, s1  }
0x8c: {  	s17 =	sshll.u32 s0, $0xA;
	s2 =	sadd.s32 s3, s2  }
0x8d: {  	s2 =	sadd.s32 s2, s17  }
0x8e: {  	[smem:$0x3FC5] =	sst s2  }
0x8f: {  	_ = 	snop  }
0x90: {  	s2 =	sld [smem:$0x3FD0];
	(tm) =	ssettm $0x1  }
0x91: {  	s18 =	sld [smem:$0x3FFB];
	_ =	sdelay $0x3  }
0x92: {  	_ =	strace s18  }
0x93: {  	s3 =	sld [smem:$0x3FFC];
	_ =	sdelay $0x3  }
0x94: {  	_ =	strace s3  }
0x95: {  	s3 =	sld [smem:$0x3FFD];
	_ =	sdelay $0x3  }
0x96: {  	_ =	strace s3  }
0x97: {  	_ =	strace $0x8FFFFFFF  }
0x98: {  	s19 =	sld [smem:$0x3FDB];
	_ =	sdelay $0x1  }
0x99: {  	s4 =	simm.s32 $_scs_section_size  }
0x9a: {  	s5 =	simm.s32 $_size__tile_overlayer_lowered;
	s6 =	simm.s32 $_tile_overlayer_lowered  }
0x9b: {  	s22 =	simm.s32 $0x1BFF;
	s21 =	sshll.u32 s6, $0x1;
	s3 =	sadd.s32 s4, s19  }
0x9c: {  	s7 =	simm.s32 $0x0;
	s20 =	sshll.u32 s5, $0x1;
	s5 =	sadd.s32 s21, s3  }
0x9d: {  	[timem:s7], [sflag:s22] =	dma.local [hbm:s5], s20  }
0x9e: {  	_ =	swait.ge [sflag:s22], s20  }
0x9f: {  	s4 =	ssub.s32 $0x0, s20;
	[sflag:s22] =	ssyncset.done $0x0  }
0xa0: {  	[sflag:s22] =	ssyncadd.s32 s4;
	_ =	sdelay $0x1  }
0xa1: {  	s23 =	simm.s32 $0x1B8B  }
0xa2: {  	_ =	swait.ge [sflag:s23], $0x1  }
0xa3: {  	[sflag:s23] =	ssyncset.done $0x0  }
0xa4: {  	s25 =	simm.s32 $0x1B8E;
	s24 =	sld [smem:$0x3FFE];
	[sflag:s23] =	ssyncadd.s32 $0xFFFFFFFF  }
0xa5: {  	s26 =	simm.s32 $execute0_lowered;
	[smem:$0x3FD2] =	sst s25  }
0xa6: {  	s5 =	sshll.u32 s26, $0x1;
	_ =	strace $0x80000046;
	[dreg:$0x1] =	wrdreg $0xFFFFFFFF  }
0xa7: {  	s28 =	simm.s32 $_size_execute0_lowered;
	s3 =	sadd.s32 s3, s5;
	[dreg:$0x0] =	wrdreg $0x0  }
0xa8: {  	s5 =	sshll.u32 s28, $0x1;
	[dreg:$0x2] =	wrdreg s3  }
0xa9: {  	[dreg:$0x3] =	wrdreg s5  }
0xaa: {  	[dreg:$0x4] =	wrdreg $0xC0  }
0xab: {  	_ =	task [dreg:s7], $0x5FFFF  }
0xac: {  	[dreg:$0x1] =	wrdreg $0xFFFFFFFF  }
0xad: {  	[dreg:$0x0] =	wrdreg $0x60  }
0xae: {  	[dreg:$0x2] =	wrdreg s24  }
0xaf: {  	[dreg:$0x3] =	wrdreg s2  }
0xb0: {  	[dreg:$0x4] =	wrdreg $0x9  }
0xb1: {  	_ =	task.clear_ibuf [dreg:s7], $0x5FFFF;
	_ =	strace $0x90000046  }
0xb2: {  	s29 =	simm.s32 $0x9;
	_ =	strace $0x80000048  }
0xb3: {  	_ =	swait.ge [sflag:s29], $0x1  }
0xb4: {  	[sflag:s29] =	ssyncadd.s32 $0xFFFFFFFF  }
0xb5: {  	_ =	strace $0x90000048  }
0xb6: {  	_ =	sfence  }
0xb7: {  	s30 =	sld [smem:$0x0];
	_ =	sdelay $0x2  }
0xb8: {  	s31 =	sshll.u32 s1, $0xD;
	s1 =	sshrl.u32 s1, $0x2  }
0xb9: {  	s3 =	sand.u32 $0x4000, s31;
	s1 =	sadd.s32 s1, s30  }
0xba: {  	s0 =	sor.u32 s3, s0;
	s1 =	sshll.u32 s1, $0x11  }
0xbb: {  	s0 =	sor.u32 s1, s0  }
0xbc: {  	s0 =	sadd.s32 $0x8F2B, s0  }
0xbd: {  	[sflag:s0] =	ssyncadd.remote.s32 $0x1  }
0xbe: {  	_ =	sfence.sel $0xFFFF  }
0xbf: {  	[dreg:$0x0] =	wrdreg $0xFFFFFFFF;
	(pc) =	sbr.abs _section_cstart, $3  }
0xc0: {  	[dreg:$0x1] =	wrdreg $0xFFFFFFFF  }
0xc1: {  	_ =	task.clear_ibuf [dreg:s7], $0x2FFFF;
	_ =	strace $0x9FFFFFFF  }
0xc2: {  	(tm) =	ssettm $0x7FFFFFFF  }
0xc3: {  	_ =	shalt  }
tec
execute0_lowered:
.L_overlay_start_1:
0x0: {  	(tag) =	ssettag $0x1  }
0x1: {  	vm14 =	vcmask $0x300;
	v0 =	vimm.s32 $0x7A120;
	vm13 =	vcmask $0x704  }
0x2: {  	vm12 =	vcmask $0xB08;
	vm11 =	vcmask $0xF0C;
	vm10 =	vcmask $0x1310  }
0x3: {  	vm9 =	vcmask $0x1714;
	vm8 =	vcmask $0x1B18;
	vm7 =	vcmask $0x1F1C  }
0x4: {  	vm6 =	vcmask $0x2320;
	vm5 =	vcmask $0x2724;
	vm4 =	vcmask $0x2B28  }
0x5: {  	vm3 =	vcmask $0x2F2C;
	vm2 =	vcmask $0x3330;
	vm1 =	vcmask $0x3734  }
0x6: {  	vm0 =	vcmask $0x3B38;
	v3 =	vimm.s32 $0x10C8E0;
	v5 =	vimm.s32 $0x186A0  }
0x7: {  	v6 =	vimm.s32 $0xAAE60;
	v8 =	vimm.s32 $0x13D620;
	v9 =	vimm.s32 $0x493E0  }
0x8: {  	v10 =	vimm.s32 $0xDBBA0;
	v0 =	vsel vm14, $0x186A00, v0;
	v4 =	vsel vm14, $0x2191C0, v3  }
0x9: {  	v5 =	vsel vm14, $0x124F80, v5;
	v6 =	vsel vm14, $0x1B7740, v6;
	v8 =	vsel vm14, $0x249F00, v8  }
0xa: {  	v9 =	vsel vm14, $0x155CC0, v9;
	v10 =	vsel vm14, $0x1E8480, v10;
	v0 =	vsel vm13, $0x19F0A0, v0  }
0xb: {  	v4 =	vsel vm13, $0x231860, v4;
	v5 =	vsel vm13, $0x13D620, v5;
	v6 =	vsel vm13, $0x1CFDE0, v6  }
0xc: {  	v8 =	vsel vm13, $0x2625A0, v8;
	v9 =	vsel vm13, $0x16E360, v9;
	v10 =	vsel vm13, $0x200B20, v10  }
0xd: {  	v0 =	vsel vm12, $0x1B7740, v0;
	v4 =	vsel vm12, $0x249F00, v4;
	v5 =	vsel vm12, $0x155CC0, v5  }
0xe: {  	v6 =	vsel vm12, $0x1E8480, v6;
	v8 =	vsel vm12, $0x0, v8;
	v9 =	vsel vm12, $0x186A00, v9  }
0xf: {  	v10 =	vsel vm12, $0x2191C0, v10;
	v0 =	vsel vm11, $0x1CFDE0, v0;
	v4 =	vsel vm11, $0x2625A0, v4  }
0x10: {  	v5 =	vsel vm11, $0x16E360, v5;
	v6 =	vsel vm11, $0x200B20, v6;
	v8 =	vsel vm11, $0x186A0, v8  }
0x11: {  	v9 =	vsel vm11, $0x19F0A0, v9;
	v10 =	vsel vm11, $0x231860, v10;
	v0 =	vsel vm10, $0x1E8480, v0  }
0x12: {  	v4 =	vsel vm10, $0x0, v4;
	v5 =	vsel vm10, $0x186A00, v5;
	v6 =	vsel vm10, $0x2191C0, v6  }
0x13: {  	v8 =	vsel vm10, $0x30D40, v8;
	v9 =	vsel vm10, $0x1B7740, v9;
	v10 =	vsel vm10, $0x249F00, v10  }
0x14: {  	v0 =	vsel vm9, $0x200B20, v0;
	v4 =	vsel vm9, $0x186A0, v4;
	v5 =	vsel vm9, $0x19F0A0, v5  }
0x15: {  	v6 =	vsel vm9, $0x231860, v6;
	v8 =	vsel vm9, $0x493E0, v8;
	v9 =	vsel vm9, $0x1CFDE0, v9  }
0x16: {  	v10 =	vsel vm9, $0x2625A0, v10;
	v0 =	vsel vm8, $0x2191C0, v0;
	v4 =	vsel vm8, $0x30D40, v4  }
0x17: {  	v5 =	vsel vm8, $0x1B7740, v5;
	v6 =	vsel vm8, $0x249F00, v6;
	v8 =	vsel vm8, $0x61A80, v8  }
0x18: {  	v9 =	vsel vm8, $0x1E8480, v9;
	v10 =	vsel vm8, $0x0, v10;
	v0 =	vsel vm7, $0x231860, v0  }
0x19: {  	v4 =	vsel vm7, $0x493E0, v4;
	v5 =	vsel vm7, $0x1CFDE0, v5;
	v6 =	vsel vm7, $0x2625A0, v6  }
0x1a: {  	v8 =	vsel vm7, $0x7A120, v8;
	v9 =	vsel vm7, $0x200B20, v9;
	v10 =	vsel vm7, $0x186A0, v10  }
0x1b: {  	v0 =	vsel vm6, $0x249F00, v0;
	v4 =	vsel vm6, $0x61A80, v4;
	v5 =	vsel vm6, $0x1E8480, v5  }
0x1c: {  	v6 =	vsel vm6, $0x0, v6;
	v8 =	vsel vm6, $0x927C0, v8;
	v9 =	vsel vm6, $0x2191C0, v9  }
0x1d: {  	v10 =	vsel vm6, $0x30D40, v10;
	v0 =	vsel vm5, $0x2625A0, v0;
	v4 =	vsel vm5, $0x7A120, v4  }
0x1e: {  	v5 =	vsel vm5, $0x200B20, v5;
	v6 =	vsel vm5, $0x186A0, v6;
	v8 =	vsel vm5, $0xAAE60, v8  }
0x1f: {  	v9 =	vsel vm5, $0x231860, v9;
	v10 =	vsel vm5, $0x493E0, v10;
	v1 =	vsel vm4, $0x0, v0  }
0x20: {  	v0 =	vlaneseq.u32;
	v4 =	vsel vm4, $0x927C0, v4;
	v5 =	vsel vm4, $0x2191C0, v5  }
0x21: {  	v6 =	vsel vm4, $0x30D40, v6;
	v8 =	vsel vm4, $0xC3500, v8;
	v9 =	vsel vm4, $0x249F00, v9  }
0x22: {  	s1 =	srdreg.scid;
	s4 =	rddreg [dreg:$0x0];
	v10 =	vsel vm4, $0x61A80, v10;
	v2 =	vsel vm3, $0x186A0, v1;
	v1 =	vmul.u32 $0x186A0, v0  }
0x23: {  	s0 =	stileid.u32;
	s6 =	rddreg [dreg:$0x1];
	v4 =	vsel vm3, $0xAAE60, v4;
	v5 =	vsel vm3, $0x231860, v5;
	v6 =	vsel vm3, $0x493E0, v6  }
0x24: {  	s2 =	simm.s32 $0x0;
	s10 =	simm.s32 $0x2;
	s14 =	simm.s32 $0x3500;
	v8 =	vsel vm3, $0xDBBA0, v8;
	v9 =	vsel vm3, $0x2625A0, v9;
	v10 =	vsel vm3, $0x7A120, v10  }
0x25: {  	s15 =	simm.s32 $0x180;
	s16 =	simm.s32 $0x3580;
	s17 =	simm.s32 $0x200;
	v14 =	vmul.u32 $0x1A, v0;
	v2 =	vsel vm2, $0x30D40, v2;
	v4 =	vsel vm2, $0xC3500, v4  }
0x26: {  	s11 =	simm.s32 $0x80;
	s18 =	simm.s32 $0x3600;
	s19 =	simm.s32 $0x280;
	v5 =	vsel vm2, $0x249F00, v5;
	v7 =	vsel vm2, $0x61A80, v6;
	v8 =	vsel vm2, $0xF4240, v8  }
0x27: {  	s20 =	simm.s32 $0x3680;
	s21 =	simm.s32 $0x1;
	s22 =	simm.s32 $0x6800;
	v11 =	vsel vm2, $0x0, v9;
	v12 =	vsel vm2, $0x927C0, v10;
	v2 =	vsel vm1, $0x493E0, v2  }
0x28: {  	s23 =	simm.s32 $0x0;
	s3 =	sand.u32 $0x1, s1;
	s31 =	sshll.u32 s0, $0x1;
	v3 =	vadd.s32 $0x927C0, v1;
	v4 =	vsel vm1, $0xDBBA0, v4;
	v5 =	vsel vm1, $0x2625A0, v5  }
0x29: {  	[smem:$0x7FF] =	sst s2;
	s7 =	sor.u32 s3, s31;
	s8 =	ssub.s32 $0x2, s3;
	v6 =	vadd.s32 $0x30D40, v1;
	v7 =	vsel vm1, $0x7A120, v7;
	v8 =	vsel vm1, $0x10C8E0, v8  }
0x2a: {  	_ =	strace $0x80000047;
	s5 =	smul.u32 $0x680, s7;
	s9 =	sshrl.u32 s8, $0x1;
	v9 =	vadd.s32 $0xC3500, v1;
	v11 =	vsel vm1, $0x186A0, v11;
	v12 =	vsel vm1, $0xAAE60, v12  }
0x2b: {  	s3 =	sadd.s32 $0xDC00, s4;
	s7 =	sshll.u32 s7, $0x6;
	s9 =	ssub.s32 s8, s9;
	v13 =	vadd.s32 $0xF4240, v1;
	v2 =	vsel vm0, $0x61A80, v2;
	v4 =	vsel vm0, $0xF4240, v4  }
0x2c: {  	s6 =	sadd.s32 s6, s7;
	s8 =	simm.s32 $0x3400;
	s5 =	sadd.s32 s5, s4;
	v5 =	vsel vm0, $0x0, v5;
	v7 =	vsel vm0, $0x927C0, v7;
	v8 =	vsel vm0, $0x124F80, v8  }
0x2d: {  	s4 =	sadd.s32 $0x5D200, s4;
	s9 =	smax.u32 s9, $0x1;
	s5 =	sadd.s32 $0xC00, s5;
	v10 =	vsel vm0, $0x30D40, v11;
	v11 =	vadd.s32 $0x61A80, v1;
	v12 =	vsel vm0, $0xC3500, v12  }
.LBB2_1:
0x2e: {  	[tilespmem:s2], [sflag:$0x2] =	stream.linear.gather [hbm4b:s5+s2], $0x3400, $0x38;
	[tilespmem:$0x6A80] =	vst v63  }
0x2f: {  	_ =	swait.ge [sflag:s10], $0x3400  }
0x30: {  	[sflag:s10] =	ssyncset.done $0x0  }
0x31: {  	s0 =	simm.s32 $0x6A00;
	[sflag:s10] =	ssyncadd.s32 $0xFFFFCC00  }
0x32: {  	[tilespmem:s0], [sflag:$0x2] =	stream.linear.gather [hbm4b:s4+s2], $0x80, $0x38;
	[tilespmem:$0x6A80] =	vst v63  }
0x33: {  	_ =	swait.ge [sflag:s10], $0x80  }
0x34: {  	[sflag:s10] =	ssyncset.done $0x0  }
0x35: {  	[sflag:s10] =	ssyncadd.s32 $0xFFFFFF80  }
0x36: {  	v15 =	vld [tilespmem:$0x0]  }
0x37: {  	v16 =	vld [tilespmem:$0x10]  }
0x38: {  	v17 =	vld [tilespmem:$0x20]  }
0x39: {  	v18 =	vld [tilespmem:$0x30]  }
0x3a: {  	v19 =	vld [tilespmem:$0x40]  }
0x3b: {  	v20 =	vld [tilespmem:$0x50];
	v15 =	vadd.s32 v1, v15  }
0x3c: {  	[tilespmem:$0x0] =	vst v15;
	v15 =	vadd.s32 v2, v16;
	v16 =	vld [tilespmem:$0x60]  }
0x3d: {  	[tilespmem:$0x10] =	vst v15;
	v15 =	vadd.s32 v3, v17;
	v17 =	vld [tilespmem:$0x70]  }
0x3e: {  	[tilespmem:$0x20] =	vst v15;
	v15 =	vadd.s32 v4, v18  }
0x3f: {  	[tilespmem:$0x30] =	vst v15;
	v15 =	vadd.s32 v5, v19  }
0x40: {  	[tilespmem:$0x40] =	vst v15;
	v15 =	vadd.s32 v6, v20  }
0x41: {  	[tilespmem:$0x50] =	vst v15;
	v15 =	vadd.s32 v7, v16  }
0x42: {  	[tilespmem:$0x60] =	vst v15;
	v15 =	vadd.s32 v9, v17  }
0x43: {  	[tilespmem:$0x70] =	vst v15  }
0x44: {  	[tilespmem:s8], [sflag:$0x1] =	stream.indirect.gather [hbm4b:s3+s11], $0x1, s2, s11, $0xb8;
	[tilespmem:$0x6A80] =	vst v63  }
0x45: {  	v15 =	vld [tilespmem:$0x80]  }
0x46: {  	v16 =	vld [tilespmem:$0x90]  }
0x47: {  	v17 =	vld [tilespmem:$0xA0]  }
0x48: {  	v18 =	vld [tilespmem:$0xB0]  }
0x49: {  	v19 =	vld [tilespmem:$0xC0]  }
0x4a: {  	v20 =	vld [tilespmem:$0xD0];
	v15 =	vadd.s32 v8, v15  }
0x4b: {  	[tilespmem:$0x80] =	vst v15;
	v15 =	vadd.s32 v10, v16;
	v16 =	vld [tilespmem:$0xE0]  }
0x4c: {  	[tilespmem:$0x90] =	vst v15;
	v15 =	vadd.s32 v11, v17;
	v17 =	vld [tilespmem:$0xF0]  }
0x4d: {  	[tilespmem:$0xA0] =	vst v15;
	v15 =	vadd.s32 v12, v18  }
0x4e: {  	[tilespmem:$0xB0] =	vst v15;
	v15 =	vadd.s32 v13, v19  }
0x4f: {  	[tilespmem:$0xC0] =	vst v15;
	v15 =	vadd.s32 v1, v20  }
0x50: {  	[tilespmem:$0xD0] =	vst v15;
	v15 =	vadd.s32 v2, v16  }
0x51: {  	[tilespmem:$0xE0] =	vst v15;
	v15 =	vadd.s32 v3, v17  }
0x52: {  	s1 =	simm.s32 $0x3480;
	[tilespmem:$0xF0] =	vst v15  }
0x53: {  	[tilespmem:s1], [sflag:$0x1] =	stream.indirect.gather [hbm4b:s3+s11], $0x1, s11, s11, $0xb8;
	[tilespmem:$0x6A80] =	vst v63  }
0x54: {  	v15 =	vld [tilespmem:$0x100]  }
0x55: {  	v16 =	vld [tilespmem:$0x110]  }
0x56: {  	v17 =	vld [tilespmem:$0x120]  }
0x57: {  	v18 =	vld [tilespmem:$0x130]  }
0x58: {  	v19 =	vld [tilespmem:$0x140]  }
0x59: {  	v20 =	vld [tilespmem:$0x150];
	v15 =	vadd.s32 v4, v15  }
0x5a: {  	[tilespmem:$0x100] =	vst v15;
	v15 =	vadd.s32 v5, v16;
	v16 =	vld [tilespmem:$0x160]  }
0x5b: {  	[tilespmem:$0x110] =	vst v15;
	v15 =	vadd.s32 v6, v17;
	v17 =	vld [tilespmem:$0x170]  }
0x5c: {  	[tilespmem:$0x120] =	vst v15;
	v15 =	vadd.s32 v7, v18  }
0x5d: {  	[tilespmem:$0x130] =	vst v15;
	v15 =	vadd.s32 v9, v19  }
0x5e: {  	[tilespmem:$0x140] =	vst v15;
	v15 =	vadd.s32 v8, v20  }
0x5f: {  	[tilespmem:$0x150] =	vst v15;
	v15 =	vadd.s32 v10, v16  }
0x60: {  	[tilespmem:$0x160] =	vst v15;
	v15 =	vadd.s32 v11, v17  }
0x61: {  	s7 =	simm.s32 $0x100;
	[tilespmem:$0x170] =	vst v15  }
0x62: {  	[tilespmem:s14], [sflag:$0x1] =	stream.indirect.gather [hbm4b:s3+s11], $0x1, s7, s11, $0xb8;
	[tilespmem:$0x6A80] =	vst v63  }
0x63: {  	v15 =	vld [tilespmem:$0x180]  }
0x64: {  	v16 =	vld [tilespmem:$0x190]  }
0x65: {  	v17 =	vld [tilespmem:$0x1A0]  }
0x66: {  	v18 =	vld [tilespmem:$0x1B0]  }
0x67: {  	v19 =	vld [tilespmem:$0x1C0]  }
0x68: {  	v20 =	vld [tilespmem:$0x1D0];
	v15 =	vadd.s32 v12, v15  }
0x69: {  	[tilespmem:$0x180] =	vst v15;
	v15 =	vadd.s32 v13, v16;
	v16 =	vld [tilespmem:$0x1E0]  }
0x6a: {  	[tilespmem:$0x190] =	vst v15;
	v15 =	vadd.s32 v1, v17;
	v17 =	vld [tilespmem:$0x1F0]  }
0x6b: {  	[tilespmem:$0x1A0] =	vst v15;
	v15 =	vadd.s32 v2, v18  }
0x6c: {  	[tilespmem:$0x1B0] =	vst v15;
	v15 =	vadd.s32 v3, v19  }
0x6d: {  	[tilespmem:$0x1C0] =	vst v15;
	v15 =	vadd.s32 v4, v20  }
0x6e: {  	[tilespmem:$0x1D0] =	vst v15;
	v15 =	vadd.s32 v5, v16  }
0x6f: {  	[tilespmem:$0x1E0] =	vst v15;
	v15 =	vadd.s32 v6, v17  }
0x70: {  	[tilespmem:$0x1F0] =	vst v15  }
0x71: {  	[tilespmem:s16], [sflag:$0x1] =	stream.indirect.gather [hbm4b:s3+s11], $0x1, s15, s11, $0xb8;
	[tilespmem:$0x6A80] =	vst v63  }
0x72: {  	v15 =	vld [tilespmem:$0x200]  }
0x73: {  	v16 =	vld [tilespmem:$0x210]  }
0x74: {  	v17 =	vld [tilespmem:$0x220]  }
0x75: {  	v18 =	vld [tilespmem:$0x230]  }
0x76: {  	v19 =	vld [tilespmem:$0x240]  }
0x77: {  	v20 =	vld [tilespmem:$0x250];
	v15 =	vadd.s32 v7, v15  }
0x78: {  	[tilespmem:$0x200] =	vst v15;
	v15 =	vadd.s32 v9, v16;
	v16 =	vld [tilespmem:$0x260]  }
0x79: {  	[tilespmem:$0x210] =	vst v15;
	v15 =	vadd.s32 v8, v17;
	v17 =	vld [tilespmem:$0x270]  }
0x7a: {  	[tilespmem:$0x220] =	vst v15;
	v15 =	vadd.s32 v10, v18  }
0x7b: {  	[tilespmem:$0x230] =	vst v15;
	v15 =	vadd.s32 v11, v19  }
0x7c: {  	[tilespmem:$0x240] =	vst v15;
	v15 =	vadd.s32 v12, v20  }
0x7d: {  	[tilespmem:$0x250] =	vst v15;
	v15 =	vadd.s32 v13, v16  }
0x7e: {  	[tilespmem:$0x260] =	vst v15;
	v15 =	vadd.s32 v1, v17  }
0x7f: {  	[tilespmem:$0x270] =	vst v15  }
0x80: {  	[tilespmem:s18], [sflag:$0x1] =	stream.indirect.gather [hbm4b:s3+s11], $0x1, s17, s11, $0xb8;
	[tilespmem:$0x6A80] =	vst v63  }
0x81: {  	v15 =	vld [tilespmem:$0x280]  }
0x82: {  	v16 =	vld [tilespmem:$0x290]  }
0x83: {  	v17 =	vld [tilespmem:$0x2A0]  }
0x84: {  	v18 =	vld [tilespmem:$0x2B0]  }
0x85: {  	v19 =	vld [tilespmem:$0x2C0]  }
0x86: {  	s24 =	simm.s32 $0x300;
	s25 =	simm.s32 $0x320;
	v20 =	vld [tilespmem:$0x2D0]  }
0x87: {  	s26 =	simm.s32 $0x350;
	s13 =	simm.s32 $0x360;
	s28 =	simm.s32 $0x310;
	v23 =	vor.u32 s24, v0;
	v24 =	vor.u32 s25, v0;
	v21 =	vld [tilespmem:$0x2E0]  }
0x88: {  	s31 =	simm.s32 $0x340;
	v26 =	vor.u32 s26, v0;
	v29 =	vor.u32 s13, v0;
	v28 =	vor.u32 s28, v0  }
0x89: {  	v30 =	vor.u32 s31, v0;
	v25 =	vmulhi.u32 $0x4EC4EC4F, v23;
	v22 =	vld [tilespmem:$0x2F0];
	v15 =	vadd.s32 v2, v15  }
0x8a: {  	v27 =	vmulhi.u32 $0x4EC4EC4F, v24;
	v16 =	vadd.s32 v3, v16;
	v17 =	vadd.s32 v4, v17;
	[tilespmem:$0x280] =	vst v15  }
0x8b: {  	s12 =	simm.s32 $0x330;
	v18 =	vadd.s32 v5, v18;
	v19 =	vadd.s32 v6, v19;
	v20 =	vadd.s32 v7, v20;
	[tilespmem:$0x290] =	vst v16  }
0x8c: {  	v21 =	vadd.s32 v9, v21;
	v15 =	vor.u32 s12, v0;
	[tilespmem:$0x2A0] =	vst v17;
	v17 =	vmulhi.u32 $0x4EC4EC4F, v26  }
0x8d: {  	s29 =	simm.s32 $0x370;
	[tilespmem:$0x2C0] =	vst v19;
	v19 =	vshrl.u32 v25, $0x3;
	v25 =	vshrl.u32 v27, $0x3;
	v27 =	vmulhi.u32 $0x4EC4EC4F, v30  }
0x8e: {  	v22 =	vadd.s32 v8, v22;
	[tilespmem:$0x2B0] =	vst v18;
	v16 =	vor.u32 s29, v0;
	v18 =	vmulhi.u32 $0x4EC4EC4F, v15  }
0x8f: {  	[tilespmem:$0x2D0] =	vst v20;
	v20 =	vmul.u32 $0x1A, v25;
	v25 =	vmul.u32 $0x1A, v19;
	v19 =	vmulhi.u32 $0x4EC4EC4F, v28  }
0x90: {  	[tilespmem:$0x2E0] =	vst v21;
	v21 =	vshrl.u32 v27, $0x3;
	v27 =	vmulhi.u32 $0x4EC4EC4F, v16;
	v17 =	vshrl.u32 v17, $0x3  }
0x91: {  	[tilespmem:$0x2F0] =	vst v22;
	v18 =	vshrl.u32 v18, $0x3;
	v22 =	vshrl.u32 v19, $0x3;
	v20 =	vsub.s32 v24, v20  }
0x92: {  	s24 =	simm.s32 $0x300;
	v17 =	vmul.u32 $0x1A, v17;
	v19 =	vmul.u32 $0x1A, v18;
	v18 =	vmulhi.u32 $0x4EC4EC4F, v29  }
0x93: {  	[tilespmem:s20], [sflag:$0x1] =	stream.indirect.gather [hbm4b:s3+s11], $0x1, s19, s11, $0xb8;
	v24 =	vmul.u32 $0x1A, v21;
	v25 =	vsub.s32 v23, v25;
	v22 =	vmul.u32 $0x1A, v22;
	[tilespmem:$0x6A80] =	vst v63  }
0x94: {  	v23 =	vld [tilespmem:s24+$0x10];
	v27 =	vshrl.u32 v27, $0x3;
	v17 =	vsub.s32 v26, v17;
	v26 =	vshrl.u32 v18, $0x3  }
0x95: {  	v21 =	vld [tilespmem:s24+$0x0];
	v25 =	vmul.u32 $0x186A0, v25;
	v18 =	vmul.u32 $0x186A0, v20;
	v31 =	vmul.u32 $0x1A, v26  }
0x96: {  	s30 =	simm.s32 $0x3F0;
	v17 =	vmul.u32 $0x186A0, v17;
	v20 =	vsub.s32 v28, v22;
	v22 =	vld [tilespmem:s24+$0x20];
	v26 =	vsub.s32 v30, v24  }
0x97: {  	s25 =	simm.s32 $0x3700;
	s26 =	simm.s32 $0x380;
	s28 =	simm.s32 $0x3780;
	v24 =	vmul.u32 $0x1A, v27;
	v28 =	vmul.u32 $0x186A0, v20;
	v20 =	vld [tilespmem:s24+$0x40];
	v27 =	vsub.s32 v29, v31  }
.LBB2_2:
0x98: {  	s29 =	sadd.s32 $0xFFFFFF90, s30  }
0x99: {  	s31 =	sadd.s32 $0xFFFFFFB0, s30;
	s1 =	sadd.s32 $0xFFFFFFC0, s30;
	v19 =	vsub.s32 v15, v19;
	v26 =	vmul.u32 $0x186A0, v26;
	v27 =	vmul.u32 $0x186A0, v27;
	s0 =	smov.u32 s30  }
0x9a: {  	v24 =	vsub.s32 v16, v24;
	v29 =	vor.u32 s29, v0;
	s7 =	sadd.s32 $0xFFFFFFE0, s0;
	s12 =	sadd.s32 $0xFFFFFFF0, s0;
	s29 =	sadd.s32 $0x80, s30;
	v23 =	vadd.s32 v28, v23;
	v28 =	vld [tilespmem:s24+$0x30]  }
0x9b: {  	p0 =	sne.s32 s30, $0x33F0;
	s13 =	sadd.s32 $0xFFFFFFA0, s0;
	v30 =	vor.u32 s31, v0;
	v15 =	vor.u32 s1, v0;
	s1 =	sadd.s32 $0xFFFFFFD0, s0;
	v16 =	vadd.s32 v25, v21;
	v21 =	vld [tilespmem:s24+$0x60]  }
0x9c: {  	v25 =	vor.u32 s7, v0;
	v31 =	vor.u32 s12, v0;
	[tilespmem:s24+$0x10] =	vst v23;
	v18 =	vadd.s32 v18, v22;
	v22 =	vld [tilespmem:s24+$0x50]  }
0x9d: {  	v19 =	vmul.u32 $0x186A0, v19;
	v32 =	vor.u32 s13, v0;
	v33 =	vor.u32 s1, v0;
	[tilespmem:s24+$0x0] =	vst v16;
	v23 =	vld [tilespmem:s24+$0x70]  }
0x9e: {  	v34 =	vmulhi.u32 $0x4EC4EC4F, v29;
	v16 =	vor.u32 s0, v0;
	[tilespmem:s24+$0x20] =	vst v18;
	v18 =	vadd.s32 v26, v20  }
0x9f: {  	v20 =	vmulhi.u32 $0x4EC4EC4F, v30;
	v19 =	vadd.s32 v19, v28;
	[tilespmem:s24+$0x40] =	vst v18;
	v18 =	vmul.u32 $0x186A0, v24  }
0xa0: {  	v26 =	vmulhi.u32 $0x4EC4EC4F, v25;
	v24 =	vshrl.u32 v34, $0x3;
	[tilespmem:s24+$0x30] =	vst v19;
	v19 =	vadd.s32 v27, v21  }
0xa1: {  	v20 =	vshrl.u32 v20, $0x3;
	v21 =	vmulhi.u32 $0x4EC4EC4F, v15;
	v17 =	vadd.s32 v17, v22;
	[tilespmem:s24+$0x60] =	vst v19  }
0xa2: {  	v19 =	vmul.u32 $0x1A, v20;
	v20 =	vmulhi.u32 $0x4EC4EC4F, v33;
	[tilespmem:s24+$0x50] =	vst v17;
	v17 =	vadd.s32 v18, v23  }
0xa3: {  	v22 =	vmulhi.u32 $0x4EC4EC4F, v32;
	v18 =	vmul.u32 $0x1A, v24;
	v21 =	vshrl.u32 v21, $0x3;
	[tilespmem:s24+$0x70] =	vst v17  }
0xa4: {  	v17 =	vshrl.u32 v20, $0x3;
	v20 =	vmulhi.u32 $0x4EC4EC4F, v16;
	[tilespmem:s25], [sflag:$0x1] =	stream.indirect.gather [hbm4b:s3+s11], $0x1, s24, s11, $0xb8;
	[tilespmem:$0x6A80] =	vst v63  }
0xa5: {  	v23 =	vshrl.u32 v26, $0x3;
	v22 =	vshrl.u32 v22, $0x3;
	v24 =	vsub.s32 v30, v19;
	s24 =	smov.u32 s26;
	s25 =	smov.u32 s28;
	_ =	swait.ge [sflag:s21], $0x80  }
0xa6: {  	v26 =	vmulhi.u32 $0x4EC4EC4F, v31;
	v19 =	vmul.u32 $0x1A, v21;
	v21 =	vmul.u32 $0x1A, v23;
	[sflag:s21] =	ssyncset.done $0x0  }
.Ltmp0:
0xa7: {  	v22 =	vmul.u32 $0x1A, v22;
	v27 =	vmul.u32 $0x1A, v17;
	v20 =	vshrl.u32 v20, $0x3;
	[sflag:s21] =	ssyncadd.s32 $0xFFFFFF80;
	(pc) =	sbr.rel @p0 .LBB2_2-.Ltmp0, $4  }
0xa8: {  	v28 =	vsub.s32 v29, v18;
	v17 =	vsub.s32 v25, v21;
	v25 =	vshrl.u32 v26, $0x3;
	v23 =	vld [tilespmem:s26+$0x10]  }
0xa9: {  	v18 =	vmul.u32 $0x186A0, v24;
	v17 =	vmul.u32 $0x186A0, v17;
	v29 =	vmul.u32 $0x1A, v25;
	v21 =	vld [tilespmem:s26+$0x0]  }
0xaa: {  	v30 =	vsub.s32 v32, v22;
	v26 =	vsub.s32 v33, v27;
	v24 =	vmul.u32 $0x1A, v20;
	v22 =	vld [tilespmem:s26+$0x20]  }
0xab: {  	s30 =	smov.u32 s29;
	s28 =	sadd.s32 $0x80, s28;
	v25 =	vmul.u32 $0x186A0, v28;
	v28 =	vmul.u32 $0x186A0, v30;
	v27 =	vsub.s32 v31, v29;
	s26 =	sadd.s32 $0x80, s26;
	v20 =	vld [tilespmem:s24+$0x40]  }
0xac: {  	v29 =	vld [tilespmem:s24+$0x30]  }
0xad: {  	v63 =	vld [tilespmem:s24+$0x50];
	v23 =	vadd.s32 v28, v23  }
0xae: {  	v61 =	vld [tilespmem:s24+$0x60];
	v15 =	vsub.s32 v15, v19;
	v62 =	vmul.u32 $0x186A0, v26;
	v21 =	vadd.s32 v25, v21;
	[tilespmem:s24+$0x10] =	vst v23  }
0xaf: {  	v15 =	vmul.u32 $0x186A0, v15;
	v25 =	vld [tilespmem:s24+$0x70];
	v18 =	vadd.s32 v18, v22;
	[tilespmem:s24+$0x0] =	vst v21  }
0xb0: {  	v26 =	vmul.u32 $0x186A0, v27;
	[tilespmem:s24+$0x20] =	vst v18;
	v27 =	vadd.s32 v62, v20  }
0xb1: {  	v16 =	vsub.s32 v16, v24;
	v15 =	vadd.s32 v15, v29;
	[tilespmem:s24+$0x40] =	vst v27  }
0xb2: {  	v16 =	vmul.u32 $0x186A0, v16;
	v17 =	vadd.s32 v17, v63;
	[tilespmem:s24+$0x30] =	vst v15  }
0xb3: {  	v15 =	vadd.s32 v26, v61;
	[tilespmem:s24+$0x50] =	vst v17  }
0xb4: {  	[tilespmem:s24+$0x60] =	vst v15;
	v15 =	vadd.s32 v16, v25  }
0xb5: {  	s0 =	simm.s32 $0x0;
	[tilespmem:s24+$0x70] =	vst v15  }
0xb6: {  	v16 =	vadd.s32 s0, v14;
	[tilespmem:s25], [sflag:$0x1] =	stream.indirect.gather [hbm4b:s3+s11], $0x1, s24, s11, $0xb8;
	[tilespmem:$0x6A80] =	vst v63  }
0xb7: {  	s26 =	simm.s32 $0x1;
	_ =	swait.ge [sflag:s21], $0x80  }
0xb8: {  	v17 =	vadd.s32 s26, v14;
	[sflag:s21] =	ssyncset.done $0x0  }
0xb9: {  	s29 =	simm.s32 $0x2;
	[sflag:s21] =	ssyncadd.s32 $0xFFFFFF80  }
0xba: {  	v28 =	vadd.s32 s29, v14;
	v15 =	vld [tilespmem:$0x6A00]  }
0xbb: {  	s30 =	simm.s32 $0x3;
	v16 =	vld.idx.msk [tilespmem:v16+s8+$0x0], $0xffff  }
0xbc: {  	v29 =	vadd.s32 s30, v14  }
0xbd: {  	s31 =	simm.s32 $0x4;
	v17 =	vld.idx.msk [tilespmem:v17+s8+$0x0], $0xffff  }
0xbe: {  	v30 =	vadd.s32 s31, v14  }
0xbf: {  	s1 =	simm.s32 $0x5;
	v18 =	vld.idx.msk [tilespmem:v28+s8+$0x0], $0xffff  }
0xc0: {  	v31 =	vadd.s32 s1, v14;
	v16 =	vadd.f32 v16, v15  }
0xc1: {  	s7 =	simm.s32 $0x6;
	v19 =	vld.idx.msk [tilespmem:v29+s8+$0x0], $0xffff  }
0xc2: {  	v32 =	vadd.s32 s7, v14;
	v16 =	vadd.f32 v17, v16  }
0xc3: {  	s12 =	simm.s32 $0x7;
	v17 =	vld.idx.msk [tilespmem:v30+s8+$0x0], $0xffff  }
0xc4: {  	v33 =	vadd.s32 s12, v14;
	v16 =	vadd.f32 v18, v16  }
0xc5: {  	s13 =	simm.s32 $0x8;
	v34 =	vld.idx.msk [tilespmem:v31+s8+$0x0], $0xffff  }
0xc6: {  	v35 =	vadd.s32 s13, v14;
	v16 =	vadd.f32 v19, v16  }
0xc7: {  	s24 =	simm.s32 $0x9;
	v36 =	vld.idx.msk [tilespmem:v32+s8+$0x0], $0xffff  }
0xc8: {  	v37 =	vadd.s32 s24, v14;
	v16 =	vadd.f32 v17, v16  }
0xc9: {  	s25 =	simm.s32 $0xA;
	v17 =	vld.idx.msk [tilespmem:v33+s8+$0x0], $0xffff  }
0xca: {  	v38 =	vadd.s32 s25, v14;
	v16 =	vadd.f32 v34, v16  }
0xcb: {  	s26 =	simm.s32 $0xB;
	v39 =	vld.idx.msk [tilespmem:v35+s8+$0x0], $0xffff  }
0xcc: {  	v40 =	vadd.s32 s26, v14;
	v16 =	vadd.f32 v36, v16  }
0xcd: {  	s29 =	simm.s32 $0xC;
	v41 =	vld.idx.msk [tilespmem:v37+s8+$0x0], $0xffff  }
0xce: {  	v42 =	vadd.s32 s29, v14;
	v16 =	vadd.f32 v17, v16  }
0xcf: {  	s30 =	simm.s32 $0xD;
	v17 =	vld.idx.msk [tilespmem:v38+s8+$0x0], $0xffff  }
0xd0: {  	v43 =	vadd.s32 s30, v14;
	v16 =	vadd.f32 v39, v16  }
0xd1: {  	s31 =	simm.s32 $0xE;
	v44 =	vld.idx.msk [tilespmem:v40+s8+$0x0], $0xffff  }
0xd2: {  	v45 =	vadd.s32 s31, v14;
	v16 =	vadd.f32 v41, v16  }
0xd3: {  	s1 =	simm.s32 $0xF;
	v46 =	vld.idx.msk [tilespmem:v42+s8+$0x0], $0xffff  }
0xd4: {  	v47 =	vadd.s32 s1, v14;
	v16 =	vadd.f32 v17, v16  }
0xd5: {  	s7 =	simm.s32 $0x10;
	v17 =	vld.idx.msk [tilespmem:v43+s8+$0x0], $0xffff  }
0xd6: {  	v48 =	vadd.s32 s7, v14;
	v16 =	vadd.f32 v44, v16  }
0xd7: {  	s12 =	simm.s32 $0x11;
	v49 =	vld.idx.msk [tilespmem:v45+s8+$0x0], $0xffff  }
0xd8: {  	v50 =	vadd.s32 s12, v14;
	v16 =	vadd.f32 v46, v16  }
0xd9: {  	s13 =	simm.s32 $0x12;
	v51 =	vld.idx.msk [tilespmem:v47+s8+$0x0], $0xffff  }
0xda: {  	v52 =	vadd.s32 s13, v14;
	v16 =	vadd.f32 v17, v16  }
0xdb: {  	s24 =	simm.s32 $0x13;
	v17 =	vld.idx.msk [tilespmem:v48+s8+$0x0], $0xffff  }
0xdc: {  	v53 =	vadd.s32 s24, v14;
	v16 =	vadd.f32 v49, v16  }
0xdd: {  	s25 =	simm.s32 $0x14;
	v54 =	vld.idx.msk [tilespmem:v50+s8+$0x0], $0xffff  }
0xde: {  	v55 =	vadd.s32 s25, v14;
	v16 =	vadd.f32 v51, v16  }
0xdf: {  	s26 =	simm.s32 $0x15;
	v56 =	vld.idx.msk [tilespmem:v52+s8+$0x0], $0xffff  }
0xe0: {  	v57 =	vadd.s32 s26, v14;
	v16 =	vadd.f32 v17, v16  }
0xe1: {  	s29 =	simm.s32 $0x16;
	v17 =	vld.idx.msk [tilespmem:v53+s8+$0x0], $0xffff  }
0xe2: {  	v58 =	vadd.s32 s29, v14;
	v16 =	vadd.f32 v54, v16  }
0xe3: {  	s30 =	simm.s32 $0x17;
	v59 =	vld.idx.msk [tilespmem:v55+s8+$0x0], $0xffff  }
0xe4: {  	v60 =	vadd.s32 s30, v14;
	v16 =	vadd.f32 v56, v16  }
0xe5: {  	s31 =	simm.s32 $0x18;
	v61 =	vld.idx.msk [tilespmem:v57+s8+$0x0], $0xffff  }
0xe6: {  	v62 =	vadd.s32 s31, v14;
	v16 =	vadd.f32 v17, v16  }
0xe7: {  	s1 =	simm.s32 $0x19;
	v17 =	vld.idx.msk [tilespmem:v58+s8+$0x0], $0xffff  }
0xe8: {  	v63 =	vadd.s32 s1, v14;
	v16 =	vadd.f32 v59, v16  }
0xe9: {  	v23 =	vld.idx.msk [tilespmem:v60+s8+$0x0], $0xffff  }
0xea: {  	v16 =	vadd.f32 v61, v16  }
0xeb: {  	v24 =	vld.idx.msk [tilespmem:v62+s8+$0x0], $0xffff  }
0xec: {  	v16 =	vadd.f32 v17, v16  }
0xed: {  	v17 =	vld.idx.msk [tilespmem:v63+s8+$0x0], $0xffff  }
0xee: {  	v16 =	vadd.f32 v23, v16;
	_ =	sdelay $0x1  }
0xef: {  	v16 =	vadd.f32 v24, v16;
	_ =	sdelay $0x1  }
0xf0: {  	v16 =	vadd.f32 v17, v16;
	_ =	sdelay $0x1  }
0xf1: {  	v16 =	vsub.f32 $0.0e+00, v16;
	_ =	sdelay $0x1  }
0xf2: {  	v16 =	vmul.f32 $1.442695020e+00, v16;
	_ =	sdelay $0x1  }
0xf3: {  	(erf) = vpow2.f32 v16;
	_ =	sdelay $0x8  }
0xf4: {  	v16 =	vpop (erf)  }
0xf5: {  	v16 =	vadd.f32 $1.000000000e+00, v16;
	_ =	sdelay $0x1  }
0xf6: {  	(erf) = vrcp.f32 v16;
	_ =	sdelay $0x4  }
0xf7: {  	s7 =	simm.s32 $0x1A0  }
0xf8: {  	v16 =	vadd.s32 s7, v14  }
0xf9: {  	s12 =	simm.s32 $0x1A1  }
0xfa: {  	v17 =	vadd.s32 s12, v14  }
0xfb: {  	s13 =	simm.s32 $0x1A2;
	s24 =	simm.s32 $0x6800;
	v25 =	vpop (erf)  }
0xfc: {  	v26 =	vadd.s32 s13, v14;
	[tilespmem:s24+$0x0] =	vst v25  }
0xfd: {  	s25 =	simm.s32 $0x1A3;
	v16 =	vld.idx.msk [tilespmem:v16+s8+$0x0], $0xffff  }
0xfe: {  	v27 =	vadd.s32 s25, v14  }
0xff: {  	s26 =	simm.s32 $0x1A4;
	v17 =	vld.idx.msk [tilespmem:v17+s8+$0x0], $0xffff  }
0x100: {  	v28 =	vadd.s32 s26, v14  }
0x101: {  	s29 =	simm.s32 $0x1A5;
	v19 =	vld.idx.msk [tilespmem:v26+s8+$0x0], $0xffff  }
0x102: {  	v29 =	vadd.s32 s29, v14;
	v16 =	vadd.f32 v16, v15  }
0x103: {  	s30 =	simm.s32 $0x1A6;
	v18 =	vld.idx.msk [tilespmem:v27+s8+$0x0], $0xffff  }
0x104: {  	v30 =	vadd.s32 s30, v14;
	v16 =	vadd.f32 v17, v16  }
0x105: {  	s31 =	simm.s32 $0x1A7;
	v17 =	vld.idx.msk [tilespmem:v28+s8+$0x0], $0xffff  }
0x106: {  	v31 =	vadd.s32 s31, v14;
	v16 =	vadd.f32 v19, v16  }
0x107: {  	s1 =	simm.s32 $0x1A8;
	v32 =	vld.idx.msk [tilespmem:v29+s8+$0x0], $0xffff  }
0x108: {  	v33 =	vadd.s32 s1, v14;
	v16 =	vadd.f32 v18, v16  }
0x109: {  	s7 =	simm.s32 $0x1A9;
	v34 =	vld.idx.msk [tilespmem:v30+s8+$0x0], $0xffff  }
0x10a: {  	v35 =	vadd.s32 s7, v14;
	v16 =	vadd.f32 v17, v16  }
0x10b: {  	s12 =	simm.s32 $0x1AA;
	v17 =	vld.idx.msk [tilespmem:v31+s8+$0x0], $0xffff  }
0x10c: {  	v36 =	vadd.s32 s12, v14;
	v16 =	vadd.f32 v32, v16  }
0x10d: {  	s13 =	simm.s32 $0x1AB;
	v37 =	vld.idx.msk [tilespmem:v33+s8+$0x0], $0xffff  }
0x10e: {  	v38 =	vadd.s32 s13, v14;
	v16 =	vadd.f32 v34, v16  }
0x10f: {  	s25 =	simm.s32 $0x1AC;
	v39 =	vld.idx.msk [tilespmem:v35+s8+$0x0], $0xffff  }
0x110: {  	v40 =	vadd.s32 s25, v14;
	v16 =	vadd.f32 v17, v16  }
0x111: {  	s26 =	simm.s32 $0x1AD;
	v17 =	vld.idx.msk [tilespmem:v36+s8+$0x0], $0xffff  }
0x112: {  	v41 =	vadd.s32 s26, v14;
	v16 =	vadd.f32 v37, v16  }
0x113: {  	s29 =	simm.s32 $0x1AE;
	v42 =	vld.idx.msk [tilespmem:v38+s8+$0x0], $0xffff  }
0x114: {  	v43 =	vadd.s32 s29, v14;
	v16 =	vadd.f32 v39, v16  }
0x115: {  	s30 =	simm.s32 $0x1AF;
	v44 =	vld.idx.msk [tilespmem:v40+s8+$0x0], $0xffff  }
0x116: {  	v45 =	vadd.s32 s30, v14;
	v16 =	vadd.f32 v17, v16  }
0x117: {  	s31 =	simm.s32 $0x1B0;
	v17 =	vld.idx.msk [tilespmem:v41+s8+$0x0], $0xffff  }
0x118: {  	v46 =	vadd.s32 s31, v14;
	v16 =	vadd.f32 v42, v16  }
0x119: {  	s1 =	simm.s32 $0x1B1;
	v47 =	vld.idx.msk [tilespmem:v43+s8+$0x0], $0xffff  }
0x11a: {  	v48 =	vadd.s32 s1, v14;
	v16 =	vadd.f32 v44, v16  }
0x11b: {  	s7 =	simm.s32 $0x1B2;
	v49 =	vld.idx.msk [tilespmem:v45+s8+$0x0], $0xffff  }
0x11c: {  	v50 =	vadd.s32 s7, v14;
	v16 =	vadd.f32 v17, v16  }
0x11d: {  	s12 =	simm.s32 $0x1B3;
	v17 =	vld.idx.msk [tilespmem:v46+s8+$0x0], $0xffff  }
0x11e: {  	v51 =	vadd.s32 s12, v14;
	v16 =	vadd.f32 v47, v16  }
0x11f: {  	s13 =	simm.s32 $0x1B4;
	v52 =	vld.idx.msk [tilespmem:v48+s8+$0x0], $0xffff  }
0x120: {  	v53 =	vadd.s32 s13, v14;
	v16 =	vadd.f32 v49, v16  }
0x121: {  	s25 =	simm.s32 $0x1B5;
	v54 =	vld.idx.msk [tilespmem:v50+s8+$0x0], $0xffff  }
0x122: {  	v55 =	vadd.s32 s25, v14;
	v16 =	vadd.f32 v17, v16  }
0x123: {  	s26 =	simm.s32 $0x1B6;
	v17 =	vld.idx.msk [tilespmem:v51+s8+$0x0], $0xffff  }
0x124: {  	v56 =	vadd.s32 s26, v14;
	v16 =	vadd.f32 v52, v16  }
0x125: {  	s29 =	simm.s32 $0x1B7;
	v57 =	vld.idx.msk [tilespmem:v53+s8+$0x0], $0xffff  }
0x126: {  	v58 =	vadd.s32 s29, v14;
	v16 =	vadd.f32 v54, v16  }
0x127: {  	s30 =	simm.s32 $0x1B8;
	v59 =	vld.idx.msk [tilespmem:v55+s8+$0x0], $0xffff  }
0x128: {  	v60 =	vadd.s32 s30, v14;
	v16 =	vadd.f32 v17, v16  }
0x129: {  	s31 =	simm.s32 $0x1B9;
	v17 =	vld.idx.msk [tilespmem:v56+s8+$0x0], $0xffff  }
0x12a: {  	v61 =	vadd.s32 s31, v14;
	v16 =	vadd.f32 v57, v16  }
0x12b: {  	v62 =	vld.idx.msk [tilespmem:v58+s8+$0x0], $0xffff  }
0x12c: {  	v16 =	vadd.f32 v59, v16  }
0x12d: {  	v63 =	vld.idx.msk [tilespmem:v60+s8+$0x0], $0xffff  }
0x12e: {  	v16 =	vadd.f32 v17, v16  }
0x12f: {  	v17 =	vld.idx.msk [tilespmem:v61+s8+$0x0], $0xffff  }
0x130: {  	v16 =	vadd.f32 v62, v16;
	_ =	sdelay $0x1  }
0x131: {  	v16 =	vadd.f32 v63, v16;
	_ =	sdelay $0x1  }
0x132: {  	v16 =	vadd.f32 v17, v16;
	_ =	sdelay $0x1  }
0x133: {  	v16 =	vsub.f32 $0.0e+00, v16;
	_ =	sdelay $0x1  }
0x134: {  	v16 =	vmul.f32 $1.442695020e+00, v16;
	_ =	sdelay $0x1  }
0x135: {  	(erf) = vpow2.f32 v16;
	_ =	sdelay $0x8  }
0x136: {  	v16 =	vpop (erf)  }
0x137: {  	v16 =	vadd.f32 $1.000000000e+00, v16;
	_ =	sdelay $0x1  }
0x138: {  	(erf) = vrcp.f32 v16;
	_ =	sdelay $0x4  }
0x139: {  	s28 =	simm.s32 $0x340;
	s25 =	simm.s32 $0x359;
	s26 =	simm.s32 $0x4F9  }
.LBB2_4:
0x13a: {  	p0 =	sne.s32 s26, $0x2F39;
	v16 =	vadd.s32 s28, v14  }
0x13b: {  	s0 =	sadd.s32 $0xFFFFFFE8, s25  }
0x13c: {  	v17 =	vadd.s32 s0, v14  }
0x13d: {  	s24 =	sadd.s32 $0x10, s24;
	s0 =	sadd.s32 $0xFFFFFFE9, s25;
	v18 =	vpop (erf)  }
0x13e: {  	v19 =	vadd.s32 s0, v14;
	[tilespmem:s24+$0x0] =	vst v18  }
0x13f: {  	s0 =	sadd.s32 $0xFFFFFFEA, s25;
	v16 =	vld.idx.msk [tilespmem:v16+s8+$0x0], $0xffff  }
0x140: {  	v18 =	vadd.s32 s0, v14  }
0x141: {  	s0 =	sadd.s32 $0xFFFFFFEB, s25;
	v17 =	vld.idx.msk [tilespmem:v17+s8+$0x0], $0xffff  }
0x142: {  	v20 =	vadd.s32 s0, v14  }
0x143: {  	s0 =	sadd.s32 $0xFFFFFFEC, s25;
	v19 =	vld.idx.msk [tilespmem:v19+s8+$0x0], $0xffff  }
0x144: {  	v21 =	vadd.s32 s0, v14  }
0x145: {  	s0 =	sadd.s32 $0xFFFFFFED, s25;
	v16 =	vadd.f32 v16, v15;
	v18 =	vld.idx.msk [tilespmem:v18+s8+$0x0], $0xffff  }
0x146: {  	v22 =	vadd.s32 s0, v14  }
0x147: {  	s0 =	sadd.s32 $0xFFFFFFEE, s25;
	v16 =	vadd.f32 v17, v16;
	v17 =	vld.idx.msk [tilespmem:v20+s8+$0x0], $0xffff  }
0x148: {  	v20 =	vadd.s32 s0, v14  }
0x149: {  	s0 =	sadd.s32 $0xFFFFFFEF, s25;
	v16 =	vadd.f32 v19, v16;
	v19 =	vld.idx.msk [tilespmem:v21+s8+$0x0], $0xffff  }
0x14a: {  	v21 =	vadd.s32 s0, v14  }
0x14b: {  	s0 =	sadd.s32 $0xFFFFFFF0, s25;
	v16 =	vadd.f32 v18, v16;
	v18 =	vld.idx.msk [tilespmem:v22+s8+$0x0], $0xffff  }
0x14c: {  	v22 =	vadd.s32 s0, v14  }
0x14d: {  	s0 =	sadd.s32 $0xFFFFFFF1, s25;
	v16 =	vadd.f32 v17, v16;
	v17 =	vld.idx.msk [tilespmem:v20+s8+$0x0], $0xffff  }
0x14e: {  	v20 =	vadd.s32 s0, v14  }
0x14f: {  	s0 =	sadd.s32 $0xFFFFFFF2, s25;
	v16 =	vadd.f32 v19, v16;
	v19 =	vld.idx.msk [tilespmem:v21+s8+$0x0], $0xffff  }
0x150: {  	v21 =	vadd.s32 s0, v14  }
0x151: {  	s0 =	sadd.s32 $0xFFFFFFF3, s25;
	v16 =	vadd.f32 v18, v16;
	v18 =	vld.idx.msk [tilespmem:v22+s8+$0x0], $0xffff  }
0x152: {  	v22 =	vadd.s32 s0, v14  }
0x153: {  	s0 =	sadd.s32 $0xFFFFFFF4, s25;
	v16 =	vadd.f32 v17, v16;
	v17 =	vld.idx.msk [tilespmem:v20+s8+$0x0], $0xffff  }
0x154: {  	v20 =	vadd.s32 s0, v14  }
0x155: {  	s0 =	sadd.s32 $0xFFFFFFF5, s25;
	v16 =	vadd.f32 v19, v16;
	v19 =	vld.idx.msk [tilespmem:v21+s8+$0x0], $0xffff  }
0x156: {  	v21 =	vadd.s32 s0, v14  }
0x157: {  	s0 =	sadd.s32 $0xFFFFFFF6, s25;
	v16 =	vadd.f32 v18, v16;
	v18 =	vld.idx.msk [tilespmem:v22+s8+$0x0], $0xffff  }
0x158: {  	v22 =	vadd.s32 s0, v14  }
0x159: {  	s0 =	sadd.s32 $0xFFFFFFF7, s25;
	v16 =	vadd.f32 v17, v16;
	v17 =	vld.idx.msk [tilespmem:v20+s8+$0x0], $0xffff  }
0x15a: {  	v20 =	vadd.s32 s0, v14  }
0x15b: {  	s0 =	sadd.s32 $0xFFFFFFF8, s25;
	v16 =	vadd.f32 v19, v16;
	v19 =	vld.idx.msk [tilespmem:v21+s8+$0x0], $0xffff  }
0x15c: {  	v21 =	vadd.s32 s0, v14  }
0x15d: {  	s0 =	sadd.s32 $0xFFFFFFF9, s25;
	v16 =	vadd.f32 v18, v16;
	v18 =	vld.idx.msk [tilespmem:v22+s8+$0x0], $0xffff  }
0x15e: {  	v22 =	vadd.s32 s0, v14  }
0x15f: {  	s0 =	sadd.s32 $0xFFFFFFFA, s25;
	v16 =	vadd.f32 v17, v16;
	v17 =	vld.idx.msk [tilespmem:v20+s8+$0x0], $0xffff  }
0x160: {  	v20 =	vadd.s32 s0, v14  }
0x161: {  	s0 =	sadd.s32 $0xFFFFFFFB, s25;
	v16 =	vadd.f32 v19, v16;
	v19 =	vld.idx.msk [tilespmem:v21+s8+$0x0], $0xffff  }
0x162: {  	v21 =	vadd.s32 s0, v14  }
0x163: {  	s0 =	sadd.s32 $0xFFFFFFFC, s25;
	v16 =	vadd.f32 v18, v16;
	v18 =	vld.idx.msk [tilespmem:v22+s8+$0x0], $0xffff  }
0x164: {  	v22 =	vadd.s32 s0, v14  }
0x165: {  	s0 =	sadd.s32 $0xFFFFFFFD, s25;
	v16 =	vadd.f32 v17, v16;
	v17 =	vld.idx.msk [tilespmem:v20+s8+$0x0], $0xffff  }
0x166: {  	v20 =	vadd.s32 s0, v14  }
0x167: {  	s0 =	sadd.s32 $0xFFFFFFFE, s25;
	v16 =	vadd.f32 v19, v16;
	v19 =	vld.idx.msk [tilespmem:v21+s8+$0x0], $0xffff  }
0x168: {  	v21 =	vadd.s32 s0, v14  }
0x169: {  	s0 =	sadd.s32 $0xFFFFFFFF, s25;
	v16 =	vadd.f32 v18, v16;
	v18 =	vld.idx.msk [tilespmem:v22+s8+$0x0], $0xffff  }
0x16a: {  	v22 =	vadd.s32 s0, v14  }
0x16b: {  	v16 =	vadd.f32 v17, v16;
	v17 =	vld.idx.msk [tilespmem:v20+s8+$0x0], $0xffff  }
0x16c: {  	v20 =	vadd.s32 s25, v14;
	s25 =	smov.u32 s26  }
0x16d: {  	v16 =	vadd.f32 v19, v16;
	v19 =	vld.idx.msk [tilespmem:v21+s8+$0x0], $0xffff;
	_ =	sdelay $0x1  }
0x16e: {  	v16 =	vadd.f32 v18, v16;
	v18 =	vld.idx.msk [tilespmem:v22+s8+$0x0], $0xffff;
	_ =	sdelay $0x1  }
0x16f: {  	v16 =	vadd.f32 v17, v16;
	v17 =	vld.idx.msk [tilespmem:v20+s8+$0x0], $0xffff;
	_ =	sdelay $0x1  }
0x170: {  	v16 =	vadd.f32 v19, v16;
	_ =	sdelay $0x1  }
0x171: {  	v16 =	vadd.f32 v18, v16;
	_ =	sdelay $0x1  }
0x172: {  	v16 =	vadd.f32 v17, v16;
	_ =	sdelay $0x1  }
0x173: {  	v16 =	vsub.f32 $0.0e+00, v16;
	_ =	sdelay $0x1  }
0x174: {  	v16 =	vmul.f32 $1.442695020e+00, v16;
	_ =	sdelay $0x1  }
0x175: {  	(erf) = vpow2.f32 v16;
	_ =	sdelay $0x8  }
0x176: {  	v16 =	vpop (erf)  }
0x177: {  	v16 =	vadd.f32 $1.000000000e+00, v16;
	_ =	sdelay $0x1  }
0x178: {  	(erf) = vrcp.f32 v16  }
.Ltmp1:
0x179: {  	(pc) =	sbr.rel @p0 .LBB2_4-.Ltmp1, $2  }
0x17a: {  	_ =	sdelay $0x2  }
0x17b: {  	s26 =	sadd.s32 $0x1A0, s26;
	s28 =	sadd.s32 $0xFFFFFFE7, s25  }
0x17c: {  	v16 =	vadd.s32 s28, v14  }
0x17d: {  	s0 =	sadd.s32 $0xFFFFFFE8, s25  }
0x17e: {  	v17 =	vadd.s32 s0, v14  }
0x17f: {  	s13 =	sadd.s32 $0xFFFFFFE9, s25;
	s24 =	sadd.s32 $0x10, s24;
	v18 =	vpop (erf)  }
0x180: {  	v19 =	vadd.s32 s13, v14;
	[tilespmem:s24+$0x0] =	vst v18  }
0x181: {  	s26 =	sadd.s32 $0xFFFFFFEA, s25;
	v16 =	vld.idx.msk [tilespmem:v16+s8+$0x0], $0xffff  }
0x182: {  	v30 =	vadd.s32 s26, v14  }
0x183: {  	s28 =	sadd.s32 $0xFFFFFFEB, s25;
	v17 =	vld.idx.msk [tilespmem:v17+s8+$0x0], $0xffff  }
0x184: {  	v20 =	vadd.s32 s28, v14  }
0x185: {  	s29 =	sadd.s32 $0xFFFFFFEC, s25;
	v19 =	vld.idx.msk [tilespmem:v19+s8+$0x0], $0xffff  }
0x186: {  	v21 =	vadd.s32 s29, v14;
	v16 =	vadd.f32 v16, v15  }
0x187: {  	s30 =	sadd.s32 $0xFFFFFFED, s25;
	v18 =	vld.idx.msk [tilespmem:v30+s8+$0x0], $0xffff  }
0x188: {  	v22 =	vadd.s32 s30, v14;
	v16 =	vadd.f32 v17, v16  }
0x189: {  	s31 =	sadd.s32 $0xFFFFFFEE, s25;
	v17 =	vld.idx.msk [tilespmem:v20+s8+$0x0], $0xffff  }
0x18a: {  	v31 =	vadd.s32 s31, v14;
	v16 =	vadd.f32 v19, v16  }
0x18b: {  	s1 =	sadd.s32 $0xFFFFFFEF, s25;
	v32 =	vld.idx.msk [tilespmem:v21+s8+$0x0], $0xffff  }
0x18c: {  	v33 =	vadd.s32 s1, v14;
	v16 =	vadd.f32 v18, v16  }
0x18d: {  	s7 =	sadd.s32 $0xFFFFFFF0, s25;
	v34 =	vld.idx.msk [tilespmem:v22+s8+$0x0], $0xffff  }
0x18e: {  	v35 =	vadd.s32 s7, v14;
	v16 =	vadd.f32 v17, v16  }
0x18f: {  	s12 =	sadd.s32 $0xFFFFFFF1, s25;
	v17 =	vld.idx.msk [tilespmem:v31+s8+$0x0], $0xffff  }
0x190: {  	v36 =	vadd.s32 s12, v14;
	v16 =	vadd.f32 v32, v16  }
0x191: {  	s13 =	sadd.s32 $0xFFFFFFF2, s25;
	v37 =	vld.idx.msk [tilespmem:v33+s8+$0x0], $0xffff  }
0x192: {  	v38 =	vadd.s32 s13, v14;
	v16 =	vadd.f32 v34, v16  }
0x193: {  	s26 =	sadd.s32 $0xFFFFFFF3, s25;
	v39 =	vld.idx.msk [tilespmem:v35+s8+$0x0], $0xffff  }
0x194: {  	v40 =	vadd.s32 s26, v14;
	v16 =	vadd.f32 v17, v16  }
0x195: {  	s28 =	sadd.s32 $0xFFFFFFF4, s25;
	v17 =	vld.idx.msk [tilespmem:v36+s8+$0x0], $0xffff  }
0x196: {  	v41 =	vadd.s32 s28, v14;
	v16 =	vadd.f32 v37, v16  }
0x197: {  	s29 =	sadd.s32 $0xFFFFFFF5, s25;
	v42 =	vld.idx.msk [tilespmem:v38+s8+$0x0], $0xffff  }
0x198: {  	v43 =	vadd.s32 s29, v14;
	v16 =	vadd.f32 v39, v16  }
0x199: {  	s30 =	sadd.s32 $0xFFFFFFF6, s25;
	v44 =	vld.idx.msk [tilespmem:v40+s8+$0x0], $0xffff  }
0x19a: {  	v45 =	vadd.s32 s30, v14;
	v16 =	vadd.f32 v17, v16  }
0x19b: {  	s31 =	sadd.s32 $0xFFFFFFF7, s25;
	v17 =	vld.idx.msk [tilespmem:v41+s8+$0x0], $0xffff  }
0x19c: {  	v46 =	vadd.s32 s31, v14;
	v16 =	vadd.f32 v42, v16  }
0x19d: {  	s1 =	sadd.s32 $0xFFFFFFF8, s25;
	v47 =	vld.idx.msk [tilespmem:v43+s8+$0x0], $0xffff  }
0x19e: {  	v48 =	vadd.s32 s1, v14;
	v16 =	vadd.f32 v44, v16  }
0x19f: {  	s7 =	sadd.s32 $0xFFFFFFF9, s25;
	v49 =	vld.idx.msk [tilespmem:v45+s8+$0x0], $0xffff  }
0x1a0: {  	v50 =	vadd.s32 s7, v14;
	v16 =	vadd.f32 v17, v16  }
0x1a1: {  	s12 =	sadd.s32 $0xFFFFFFFA, s25;
	v17 =	vld.idx.msk [tilespmem:v46+s8+$0x0], $0xffff  }
0x1a2: {  	v51 =	vadd.s32 s12, v14;
	v16 =	vadd.f32 v47, v16  }
0x1a3: {  	s13 =	sadd.s32 $0xFFFFFFFB, s25;
	v52 =	vld.idx.msk [tilespmem:v48+s8+$0x0], $0xffff  }
0x1a4: {  	v53 =	vadd.s32 s13, v14;
	v16 =	vadd.f32 v49, v16  }
0x1a5: {  	s26 =	sadd.s32 $0xFFFFFFFC, s25;
	v54 =	vld.idx.msk [tilespmem:v50+s8+$0x0], $0xffff  }
0x1a6: {  	v55 =	vadd.s32 s26, v14;
	v16 =	vadd.f32 v17, v16  }
0x1a7: {  	s28 =	sadd.s32 $0xFFFFFFFD, s25;
	v17 =	vld.idx.msk [tilespmem:v51+s8+$0x0], $0xffff  }
0x1a8: {  	v56 =	vadd.s32 s28, v14;
	v16 =	vadd.f32 v52, v16  }
0x1a9: {  	s29 =	sadd.s32 $0xFFFFFFFE, s25;
	v57 =	vld.idx.msk [tilespmem:v53+s8+$0x0], $0xffff  }
0x1aa: {  	v58 =	vadd.s32 s29, v14;
	v16 =	vadd.f32 v54, v16  }
0x1ab: {  	s30 =	sadd.s32 $0xFFFFFFFF, s25;
	v59 =	vld.idx.msk [tilespmem:v55+s8+$0x0], $0xffff  }
0x1ac: {  	v60 =	vadd.s32 s30, v14;
	v16 =	vadd.f32 v17, v16  }
0x1ad: {  	v17 =	vld.idx.msk [tilespmem:v56+s8+$0x0], $0xffff  }
0x1ae: {  	v61 =	vadd.s32 s25, v14;
	v16 =	vadd.f32 v57, v16  }
0x1af: {  	v62 =	vld.idx.msk [tilespmem:v58+s8+$0x0], $0xffff  }
0x1b0: {  	v16 =	vadd.f32 v59, v16  }
0x1b1: {  	v63 =	vld.idx.msk [tilespmem:v60+s8+$0x0], $0xffff  }
0x1b2: {  	v16 =	vadd.f32 v17, v16  }
0x1b3: {  	v17 =	vld.idx.msk [tilespmem:v61+s8+$0x0], $0xffff  }
0x1b4: {  	v16 =	vadd.f32 v62, v16;
	_ =	sdelay $0x1  }
0x1b5: {  	v16 =	vadd.f32 v63, v16;
	_ =	sdelay $0x1  }
0x1b6: {  	v16 =	vadd.f32 v17, v16;
	_ =	sdelay $0x1  }
0x1b7: {  	v16 =	vsub.f32 $0.0e+00, v16;
	_ =	sdelay $0x1  }
0x1b8: {  	v16 =	vmul.f32 $1.442695020e+00, v16;
	_ =	sdelay $0x1  }
0x1b9: {  	(erf) = vpow2.f32 v16;
	_ =	sdelay $0x8  }
0x1ba: {  	v16 =	vpop (erf)  }
0x1bb: {  	v16 =	vadd.f32 $1.000000000e+00, v16;
	_ =	sdelay $0x1  }
0x1bc: {  	(erf) = vrcp.f32 v16;
	_ =	sdelay $0x8  }
0x1bd: {  	s31 =	sadd.s32 $0x10, s24;
	v16 =	vpop (erf)  }
0x1be: {  	[tilespmem:s31+$0x0] =	vst v16  }
0x1bf: {  	_ =	swait.ge [sflag:s21], $0x80  }
0x1c0: {  	[sflag:s21] =	ssyncset.done $0x0  }
0x1c1: {  	[sflag:s21] =	ssyncadd.s32 $0xFFFFFF80  }
0x1c2: {  	_ =	swait.ge [sflag:s21], $0x80  }
0x1c3: {  	[sflag:s21] =	ssyncset.done $0x0  }
0x1c4: {  	[sflag:s21] =	ssyncadd.s32 $0xFFFFFF80  }
0x1c5: {  	_ =	swait.ge [sflag:s21], $0x80  }
0x1c6: {  	[sflag:s21] =	ssyncset.done $0x0  }
0x1c7: {  	[sflag:s21] =	ssyncadd.s32 $0xFFFFFF80  }
0x1c8: {  	_ =	swait.ge [sflag:s21], $0x80  }
0x1c9: {  	[sflag:s21] =	ssyncset.done $0x0  }
0x1ca: {  	[sflag:s21] =	ssyncadd.s32 $0xFFFFFF80  }
0x1cb: {  	_ =	swait.ge [sflag:s21], $0x80  }
0x1cc: {  	[sflag:s21] =	ssyncset.done $0x0  }
0x1cd: {  	[sflag:s21] =	ssyncadd.s32 $0xFFFFFF80  }
0x1ce: {  	_ =	swait.ge [sflag:s21], $0x80  }
0x1cf: {  	[sflag:s21] =	ssyncset.done $0x0  }
0x1d0: {  	s25 =	simm.s32 $0x69E0;
	s24 =	simm.s32 $0x30D9;
	[sflag:s21] =	ssyncadd.s32 $0xFFFFFF80  }
.LBB2_6:
0x1d1: {  	s0 =	sadd.s32 $0xFFFFFFE7, s24  }
0x1d2: {  	v16 =	vadd.s32 s0, v14  }
0x1d3: {  	s13 =	sadd.s32 $0xFFFFFFE8, s24  }
0x1d4: {  	v17 =	vadd.s32 s13, v14  }
0x1d5: {  	s26 =	sadd.s32 $0xFFFFFFE9, s24  }
0x1d6: {  	v18 =	vadd.s32 s26, v14  }
0x1d7: {  	s28 =	sadd.s32 $0xFFFFFFEA, s24;
	v16 =	vld.idx.msk [tilespmem:v16+s8+$0x0], $0xffff  }
0x1d8: {  	v19 =	vadd.s32 s28, v14  }
0x1d9: {  	s29 =	sadd.s32 $0xFFFFFFEB, s24;
	v17 =	vld.idx.msk [tilespmem:v17+s8+$0x0], $0xffff  }
0x1da: {  	v20 =	vadd.s32 s29, v14  }
0x1db: {  	s30 =	sadd.s32 $0xFFFFFFEC, s24;
	v18 =	vld.idx.msk [tilespmem:v18+s8+$0x0], $0xffff  }
0x1dc: {  	v21 =	vadd.s32 s30, v14;
	v16 =	vadd.f32 v16, v15  }
0x1dd: {  	s31 =	sadd.s32 $0xFFFFFFED, s24;
	v19 =	vld.idx.msk [tilespmem:v19+s8+$0x0], $0xffff  }
0x1de: {  	v16 =	vadd.f32 v17, v16;
	v17 =	vadd.s32 s31, v14  }
0x1df: {  	s1 =	sadd.s32 $0xFFFFFFEE, s24;
	v20 =	vld.idx.msk [tilespmem:v20+s8+$0x0], $0xffff  }
0x1e0: {  	v47 =	vadd.s32 s1, v14;
	v16 =	vadd.f32 v18, v16  }
0x1e1: {  	s7 =	sadd.s32 $0xFFFFFFEF, s24;
	v21 =	vld.idx.msk [tilespmem:v21+s8+$0x0], $0xffff  }
0x1e2: {  	v48 =	vadd.s32 s7, v14;
	v16 =	vadd.f32 v19, v16  }
0x1e3: {  	s12 =	sadd.s32 $0xFFFFFFF0, s24;
	v17 =	vld.idx.msk [tilespmem:v17+s8+$0x0], $0xffff  }
0x1e4: {  	v49 =	vadd.s32 s12, v14;
	v16 =	vadd.f32 v20, v16  }
0x1e5: {  	s13 =	sadd.s32 $0xFFFFFFF1, s24;
	v18 =	vld.idx.msk [tilespmem:v47+s8+$0x0], $0xffff  }
0x1e6: {  	v50 =	vadd.s32 s13, v14;
	v16 =	vadd.f32 v21, v16  }
0x1e7: {  	s26 =	sadd.s32 $0xFFFFFFF2, s24;
	v19 =	vld.idx.msk [tilespmem:v48+s8+$0x0], $0xffff  }
0x1e8: {  	v16 =	vadd.f32 v17, v16;
	v17 =	vadd.s32 s26, v14  }
0x1e9: {  	s28 =	sadd.s32 $0xFFFFFFF3, s24;
	v20 =	vld.idx.msk [tilespmem:v49+s8+$0x0], $0xffff  }
0x1ea: {  	v51 =	vadd.s32 s28, v14;
	v16 =	vadd.f32 v18, v16  }
0x1eb: {  	s29 =	sadd.s32 $0xFFFFFFF4, s24;
	v21 =	vld.idx.msk [tilespmem:v50+s8+$0x0], $0xffff  }
0x1ec: {  	v52 =	vadd.s32 s29, v14;
	v16 =	vadd.f32 v19, v16  }
0x1ed: {  	s30 =	sadd.s32 $0xFFFFFFF5, s24;
	v17 =	vld.idx.msk [tilespmem:v17+s8+$0x0], $0xffff  }
0x1ee: {  	v53 =	vadd.s32 s30, v14;
	v16 =	vadd.f32 v20, v16  }
0x1ef: {  	s31 =	sadd.s32 $0xFFFFFFF6, s24;
	v18 =	vld.idx.msk [tilespmem:v51+s8+$0x0], $0xffff  }
0x1f0: {  	v54 =	vadd.s32 s31, v14;
	v16 =	vadd.f32 v21, v16  }
0x1f1: {  	s1 =	sadd.s32 $0xFFFFFFF7, s24;
	v19 =	vld.idx.msk [tilespmem:v52+s8+$0x0], $0xffff  }
0x1f2: {  	v16 =	vadd.f32 v17, v16;
	v17 =	vadd.s32 s1, v14  }
0x1f3: {  	s7 =	sadd.s32 $0xFFFFFFF8, s24;
	v20 =	vld.idx.msk [tilespmem:v53+s8+$0x0], $0xffff  }
0x1f4: {  	v55 =	vadd.s32 s7, v14;
	v16 =	vadd.f32 v18, v16  }
0x1f5: {  	s12 =	sadd.s32 $0xFFFFFFF9, s24;
	v21 =	vld.idx.msk [tilespmem:v54+s8+$0x0], $0xffff  }
0x1f6: {  	v56 =	vadd.s32 s12, v14;
	v16 =	vadd.f32 v19, v16  }
0x1f7: {  	s13 =	sadd.s32 $0xFFFFFFFA, s24;
	v17 =	vld.idx.msk [tilespmem:v17+s8+$0x0], $0xffff  }
0x1f8: {  	v57 =	vadd.s32 s13, v14;
	v16 =	vadd.f32 v20, v16  }
0x1f9: {  	s26 =	sadd.s32 $0xFFFFFFFB, s24;
	v18 =	vld.idx.msk [tilespmem:v55+s8+$0x0], $0xffff  }
0x1fa: {  	v58 =	vadd.s32 s26, v14;
	v16 =	vadd.f32 v21, v16  }
0x1fb: {  	s28 =	sadd.s32 $0xFFFFFFFC, s24;
	v19 =	vld.idx.msk [tilespmem:v56+s8+$0x0], $0xffff  }
0x1fc: {  	v16 =	vadd.f32 v17, v16;
	v17 =	vadd.s32 s28, v14  }
0x1fd: {  	s29 =	sadd.s32 $0xFFFFFFFD, s24;
	v20 =	vld.idx.msk [tilespmem:v57+s8+$0x0], $0xffff  }
0x1fe: {  	v59 =	vadd.s32 s29, v14;
	v16 =	vadd.f32 v18, v16  }
0x1ff: {  	s30 =	sadd.s32 $0xFFFFFFFE, s24;
	v21 =	vld.idx.msk [tilespmem:v58+s8+$0x0], $0xffff  }
0x200: {  	v60 =	vadd.s32 s30, v14;
	v16 =	vadd.f32 v19, v16  }
0x201: {  	s31 =	sadd.s32 $0xFFFFFFFF, s24;
	v17 =	vld.idx.msk [tilespmem:v17+s8+$0x0], $0xffff  }
0x202: {  	v61 =	vadd.s32 s31, v14;
	v16 =	vadd.f32 v20, v16  }
0x203: {  	v18 =	vld.idx.msk [tilespmem:v59+s8+$0x0], $0xffff  }
0x204: {  	v62 =	vadd.s32 s24, v14;
	v16 =	vadd.f32 v21, v16  }
0x205: {  	v19 =	vld.idx.msk [tilespmem:v60+s8+$0x0], $0xffff  }
0x206: {  	v16 =	vadd.f32 v17, v16  }
0x207: {  	v17 =	vld.idx.msk [tilespmem:v61+s8+$0x0], $0xffff  }
0x208: {  	v16 =	vadd.f32 v18, v16  }
0x209: {  	v63 =	vld.idx.msk [tilespmem:v62+s8+$0x0], $0xffff  }
0x20a: {  	v16 =	vadd.f32 v19, v16;
	_ =	sdelay $0x1  }
0x20b: {  	v16 =	vadd.f32 v17, v16;
	_ =	sdelay $0x1  }
0x20c: {  	v16 =	vadd.f32 v63, v16;
	_ =	sdelay $0x1  }
0x20d: {  	v16 =	vsub.f32 $0.0e+00, v16;
	_ =	sdelay $0x1  }
0x20e: {  	v16 =	vmul.f32 $1.442695020e+00, v16;
	_ =	sdelay $0x1  }
0x20f: {  	(erf) = vpow2.f32 v16;
	_ =	sdelay $0x8  }
0x210: {  	v16 =	vpop (erf)  }
0x211: {  	v16 =	vadd.f32 $1.000000000e+00, v16;
	_ =	sdelay $0x1  }
0x212: {  	(erf) = vrcp.f32 v16;
	_ =	sdelay $0x4  }
0x213: {  	p0 =	sne.s32 s24, $0x3279  }
.Ltmp2:
0x214: {  	_ = 	snop;
	(pc) =	sbr.rel @p0 .LBB2_6-.Ltmp2, $3  }
0x215: {  	_ =	sdelay $0x1  }
0x216: {  	v16 =	vpop (erf)  }
0x217: {  	s24 =	sadd.s32 $0x1A0, s24;
	[tilespmem:s25+$0x0] =	vst v16;
	s25 =	sadd.s32 $0x10, s25  }
0x218: {  	s23 =	sadd.s32 $0x1, s23  }
0x219: {  	p0 =	sne.s32 s23, s9  }
.Ltmp3:
0x21a: {  	_ = 	snop;
	(pc) =	sbr.rel @p0 .LBB2_1-.Ltmp3, $4  }
0x21b: {  	[hbm4b:s6+s2] =	stream.linear.scatter [tilespmem:s22], [sflag:$0x2], $0x200, $0x38;
	[tilespmem:$0x6A80] =	vst v63  }
0x21c: {  	_ =	swait.ge [sflag:s10], $0x200  }
0x21d: {  	[sflag:s10] =	ssyncset.done $0x0  }
0x21e: {  	[sflag:s10] =	ssyncadd.s32 $0xFFFFFE00  }
0x21f: {  	_ =	sfence.sel $0x180000  }
0x220: {  	[bflag:$0x0] =	sbarrier.arrive $0xFFFF  }
0x221: {  	_ =	strace $0x90000047  }
0x222: {  	s0 =	stileid.u32;
	[bflag:$0x2] =	sbarrier.arrive $0xFFFF  }
0x223: {  	p0 =	sne.s32 s0, $0x0;
	s0 =	rddreg [dreg:$0x2]  }
0x224: {  	s0 =	sadd.s32 @!p0 $0x100000, s0  }
0x225: {  	[sflag:s0] =	ssyncadd.tile.s32 @!p0 $0x1;
	_ =	shalt  }
.Lfunc_end2:
_tile_overlayer_lowered:
.L_overlay_start_2:
0x226: {  	(tag) =	ssettag $0x2  }
0x227: {  	s0 =	rddreg [dreg:$0x0];
	s2 =	stileid.u32  }
0x228: {  	s1 =	rddreg [dreg:$0x1];
	p0 =	sne.s32 s2, $0x0  }
0x229: {  	s3 =	rddreg [dreg:$0x2];
	[bflag:$0x3] =	sbarrier.arrive $0xFFFF;
	s2 =	simm.s32 @!p0 $0x1C02  }
0x22a: {  	[timem:s3], [sflag:s2] =	dma.local @!p0 [hbm:s0], s1  }
0x22b: {  	s0 =	simm.s32 @!p0 $0x2  }
0x22c: {  	_ =	swait.ge @!p0 [sflag:s0], s1  }
0x22d: {  	s1 =	ssub.s32 @!p0 $0x0, s1;
	[sflag:s0] =	ssyncset.done @!p0 $0x0  }
0x22e: {  	[sflag:s0] =	ssyncadd.s32 @!p0 s1  }
0x22f: {  	[bflag:$0x3] =	sbarrier.arrive $0xFFFF  }
0x230: {  	_ =	shalt  }

</sc_bundles>
